<compile_context>
chip_gen: v7x
topology: tpu7x:2x2x1
jax: 0.10.2.dev20260603
libtpu: 0.0.44.dev20260713+nightly
codegen_flags: <defaults>
</compile_context>

<pallas_src>
import functools

import jax
import jax.numpy as jnp
from jax import lax
from jax.experimental import pallas as pl
from jax.experimental.pallas import tpu as pltpu
from jax.experimental.pallas import tpu_sc as plsc

E = 8
TILE = 4096
LANES = 16
NUM_WORKERS = 32


def _logits_body(x_ref, w_ref, lt_ref):
    logits = jnp.dot(x_ref[...], w_ref[...], preferred_element_type=jnp.float32)
    lt_ref[...] = logits.T


def _route_chunk(i, lt_v, wv, iv):
    off = i * LANES
    rows = [lt_v[e, pl.ds(off, LANES)] for e in range(E)]
    m1 = rows[0]
    i1 = jnp.zeros((LANES,), jnp.float32)
    m2 = jnp.full((LANES,), -jnp.inf, jnp.float32)
    i2 = jnp.zeros((LANES,), jnp.float32)
    for e in range(1, E):
        v = rows[e]
        ev = jnp.full((LANES,), float(e), jnp.float32)
        b1 = v > m1
        c2 = v > m2
        m2 = jnp.where(b1, m1, jnp.where(c2, v, m2))
        i2 = jnp.where(b1, i1, jnp.where(c2, ev, i2))
        m1 = jnp.where(b1, v, m1)
        i1 = jnp.where(b1, ev, i1)
    z = rows[0] * jnp.float32(0.0)
    for e in range(E):
        z = z + jnp.exp(rows[e] - m1)
    p1 = 1.0 / z
    p2 = jnp.exp(m2 - m1) / z
    w1 = 1.0 / (1.0 + jnp.exp(p2 - p1))
    wv[0, pl.ds(off, LANES)] = w1
    wv[1, pl.ds(off, LANES)] = 1.0 - w1
    iv[0, pl.ds(off, LANES)] = i1.astype(jnp.int32)
    iv[1, pl.ds(off, LANES)] = i2.astype(jnp.int32)


def _make_router_sc(n_tokens):
    chunk = n_tokens // NUM_WORKERS
    mesh = plsc.VectorSubcoreMesh(core_axis_name="c", subcore_axis_name="s")

    @functools.partial(
        pl.kernel,
        mesh=mesh,
        out_type=[
            jax.ShapeDtypeStruct((2, n_tokens), jnp.float32),
            jax.ShapeDtypeStruct((2, n_tokens), jnp.int32),
        ],
        scratch_types=[
            pltpu.VMEM((E, chunk), jnp.float32),
            pltpu.VMEM((2, chunk), jnp.float32),
            pltpu.VMEM((2, chunk), jnp.int32),
        ],
    )
    def route(lt_hbm, wout_hbm, iout_hbm, lt_v, wv, iv):
        wid = lax.axis_index("s") * 2 + lax.axis_index("c")
        base = wid * chunk
        pltpu.sync_copy(lt_hbm.at[:, pl.ds(base, chunk)], lt_v)

        def body(i, carry):
            _route_chunk(i, lt_v, wv, iv)
            return carry

        lax.fori_loop(0, chunk // LANES, body, 0)
        pltpu.sync_copy(wv, wout_hbm.at[:, pl.ds(base, chunk)])
        pltpu.sync_copy(iv, iout_hbm.at[:, pl.ds(base, chunk)])

    return route


NSEG = 2


def kernel(x, kernel_DE):
    B, T, D = x.shape
    N = B * T
    seg = N // NSEG
    xf = x.reshape(N, D)
    route = _make_router_sc(seg)
    lts = []
    for s in range(NSEG):
        base = s * (seg // TILE)
        lts.append(
            pl.pallas_call(
                _logits_body,
                grid=(seg // TILE,),
                in_specs=[
                    pl.BlockSpec((TILE, D), lambda i, base=base: (base + i, 0)),
                    pl.BlockSpec((D, E), lambda i: (0, 0)),
                ],
                out_specs=pl.BlockSpec((E, TILE), lambda i: (0, i)),
                out_shape=jax.ShapeDtypeStruct((E, seg), jnp.float32),
            )(xf, kernel_DE)
        )
    outs = [route(lt) for lt in lts]
    wout = jnp.concatenate([o[0] for o in outs], axis=1)
    iout = jnp.concatenate([o[1] for o in outs], axis=1)
    return wout.T.reshape(B, T, 2), iout.T.reshape(B, T, 2)

# --- scband reference (transcript-rebuilt; emitter-appended) ---
"""Pipeline reference for scband-router-52415780880435 (READ-ONLY COPY).

The authoritative reference and input builder live on the scoring server;
editing this copy changes nothing except your own understanding.
"""

import jax, jax.numpy as jnp
import numpy as np

B, T, D, E, TOP_K = 4, 8192, 768, 8, 2

def setup_inputs(seed: int = 0) -> dict:
    key = jax.random.key(seed)
    kx, kw = jax.random.split(key)
    x = jax.random.normal(kx, (B, T, D), dtype=jnp.float32)
    kernel_DE = jax.random.normal(kw, (D, E), dtype=jnp.float32) * (1.0 / np.sqrt(D))
    return {"x": x, "kernel_DE": kernel_DE}

def reference(x, kernel_DE):
    # Router.__call__: einsum -> softmax over experts -> top_k -> softmax over selected weights
    x = jnp.asarray(x, jnp.float32)
    router_logits_BTE = jnp.einsum('BTD,DE->BTE', x, kernel_DE)
    activated_gating_BTF = jax.nn.softmax(router_logits_BTE.astype(jnp.float32), axis=-1)
    weights_BTX, selected_experts_BTX = jax.lax.top_k(activated_gating_BTF, TOP_K)
    normalized_weights_BTX = jax.nn.softmax(weights_BTX.astype(jnp.float32), axis=-1)
    return (normalized_weights_BTX, selected_experts_BTX)

if __name__ == "__main__":
    import jax
    _d = setup_inputs()
    print(jax.jit(kernel)(*tuple(_d.values())))

</pallas_src>

<mosaic_0001>
#map = affine_map<(d0, d1) -> (0, 0)>
module attributes {stable_mosaic.version = 14 : i64} {
  func.func @route(%arg0: i32, %arg1: i32, %arg2: memref<8x16384xf32, #tpu.memory_space<hbm>>, %arg3: memref<2x16384xf32, #tpu.memory_space<hbm>>, %arg4: memref<2x16384xi32, #tpu.memory_space<hbm>>, %arg5: memref<8x512xf32, #tpu.memory_space<vmem>>, %arg6: memref<2x512xf32, #tpu.memory_space<vmem>>, %arg7: memref<2x512xi32, #tpu.memory_space<vmem>>) attributes {dimension_semantics = [#tpu.dimension_semantics<core_parallel>, #tpu.dimension_semantics<subcore_parallel>], iteration_bounds = array<i64: 2, 16>, scalar_prefetch = 0 : i64, scratch_operands = 3 : i64, tpu.core_type = #tpu.core_type<sc_vector_subcore>, window_params = [{transform_indices = #map}, {transform_indices = #map}, {transform_indices = #map}]} {
    %mul3A = arith.constant 2 : i32
    %mul3A_0 = arith.muli %arg1, %mul3A : i32
    %add3A = arith.addi %mul3A_0, %arg0 : i32
    %mul3A_1 = arith.constant 512 : i32
    %mul3A_2 = arith.muli %add3A, %mul3A_1 : i32
    "tpu.region"() ({
      %run_scoped3A = tpu.sem_alloc : memref<!tpu.dma_semaphore, #tpu.memory_space<semaphore_mem>>
      %dma_start3A = arith.constant 0 : i32
      %dma_start3A_8 = tpu.memref_slice %arg2[%dma_start3A, %mul3A_2] : memref<8x16384xf32, #tpu.memory_space<hbm>> -> memref<8x512xf32, #tpu.memory_space<hbm>>
      %dma_start3A_9 = arith.constant 0 : i32
      %dma_start3A_10 = tpu.memref_slice %arg2[%dma_start3A_9, %mul3A_2] : memref<8x16384xf32, #tpu.memory_space<hbm>> -> memref<8x512xf32, #tpu.memory_space<hbm>>
      tpu.enqueue_dma source(%dma_start3A_10 : memref<8x512xf32, #tpu.memory_space<hbm>>) target(%arg5 : memref<8x512xf32, #tpu.memory_space<vmem>>) target_semaphore(%run_scoped3A : memref<!tpu.dma_semaphore, #tpu.memory_space<semaphore_mem>>)
      %dma_wait3A = arith.constant 0 : i32
      %dma_wait3A_11 = tpu.memref_slice %arg2[%dma_wait3A, %mul3A_2] : memref<8x16384xf32, #tpu.memory_space<hbm>> -> memref<8x512xf32, #tpu.memory_space<hbm>>
      %dma_wait3A_12 = arith.constant 0 : i32
      %dma_wait3A_13 = tpu.memref_slice %arg2[%dma_wait3A_12, %mul3A_2] : memref<8x16384xf32, #tpu.memory_space<hbm>> -> memref<8x512xf32, #tpu.memory_space<hbm>>
      tpu.wait_dma2 semaphore(%run_scoped3A : memref<!tpu.dma_semaphore, #tpu.memory_space<semaphore_mem>>) src(%dma_wait3A_13 : memref<8x512xf32, #tpu.memory_space<hbm>>) dst(%arg5 : memref<8x512xf32, #tpu.memory_space<vmem>>)
      tpu.yield
    }) : () -> ()
    %scan3A = arith.constant 0 : i32
    %scan3A_3 = arith.constant 0 : i32
    %scan3A_4 = arith.constant 32 : i32
    %scan3A_5 = arith.addi %scan3A_3, %scan3A_4 : i32
    %scan3A_6 = arith.constant 1 : i32
    scf.for %scan3A_8 = %scan3A_3 to %scan3A_5 step %scan3A_6  : i32 {
      %mul3A_9 = arith.constant 16 : i32
      %mul3A_10 = arith.muli %scan3A_8, %mul3A_9 : i32
      %get3A = arith.constant 0 : i32
      %get3A_11 = arith.index_cast %get3A : i32 to index
      %get3A_12 = arith.index_cast %mul3A_10 : i32 to index
      %get3A_13 = tpu.vector_load %arg5[%get3A_11, %get3A_12] {strides = array<i32>} : memref<8x512xf32, #tpu.memory_space<vmem>>, vector<1x16xf32>,
      %get3A_14 = vector.shape_cast %get3A_13 : vector<1x16xf32> to vector<16xf32>
      %get3A_15 = arith.constant 1 : i32
      %get3A_16 = arith.index_cast %get3A_15 : i32 to index
      %get3A_17 = arith.index_cast %mul3A_10 : i32 to index
      %get3A_18 = tpu.vector_load %arg5[%get3A_16, %get3A_17] {strides = array<i32>} : memref<8x512xf32, #tpu.memory_space<vmem>>, vector<1x16xf32>,
      %get3A_19 = vector.shape_cast %get3A_18 : vector<1x16xf32> to vector<16xf32>
      %get3A_20 = arith.constant 2 : i32
      %get3A_21 = arith.index_cast %get3A_20 : i32 to index
      %get3A_22 = arith.index_cast %mul3A_10 : i32 to index
      %get3A_23 = tpu.vector_load %arg5[%get3A_21, %get3A_22] {strides = array<i32>} : memref<8x512xf32, #tpu.memory_space<vmem>>, vector<1x16xf32>,
      %get3A_24 = vector.shape_cast %get3A_23 : vector<1x16xf32> to vector<16xf32>
      %get3A_25 = arith.constant 3 : i32
      %get3A_26 = arith.index_cast %get3A_25 : i32 to index
      %get3A_27 = arith.index_cast %mul3A_10 : i32 to index
      %get3A_28 = tpu.vector_load %arg5[%get3A_26, %get3A_27] {strides = array<i32>} : memref<8x512xf32, #tpu.memory_space<vmem>>, vector<1x16xf32>,
      %get3A_29 = vector.shape_cast %get3A_28 : vector<1x16xf32> to vector<16xf32>
      %get3A_30 = arith.constant 4 : i32
      %get3A_31 = arith.index_cast %get3A_30 : i32 to index
      %get3A_32 = arith.index_cast %mul3A_10 : i32 to index
      %get3A_33 = tpu.vector_load %arg5[%get3A_31, %get3A_32] {strides = array<i32>} : memref<8x512xf32, #tpu.memory_space<vmem>>, vector<1x16xf32>,
      %get3A_34 = vector.shape_cast %get3A_33 : vector<1x16xf32> to vector<16xf32>
      %get3A_35 = arith.constant 5 : i32
      %get3A_36 = arith.index_cast %get3A_35 : i32 to index
      %get3A_37 = arith.index_cast %mul3A_10 : i32 to index
      %get3A_38 = tpu.vector_load %arg5[%get3A_36, %get3A_37] {strides = array<i32>} : memref<8x512xf32, #tpu.memory_space<vmem>>, vector<1x16xf32>,
      %get3A_39 = vector.shape_cast %get3A_38 : vector<1x16xf32> to vector<16xf32>
      %get3A_40 = arith.constant 6 : i32
      %get3A_41 = arith.index_cast %get3A_40 : i32 to index
      %get3A_42 = arith.index_cast %mul3A_10 : i32 to index
      %get3A_43 = tpu.vector_load %arg5[%get3A_41, %get3A_42] {strides = array<i32>} : memref<8x512xf32, #tpu.memory_space<vmem>>, vector<1x16xf32>,
      %get3A_44 = vector.shape_cast %get3A_43 : vector<1x16xf32> to vector<16xf32>
      %get3A_45 = arith.constant 7 : i32
      %get3A_46 = arith.index_cast %get3A_45 : i32 to index
      %get3A_47 = arith.index_cast %mul3A_10 : i32 to index
      %get3A_48 = tpu.vector_load %arg5[%get3A_46, %get3A_47] {strides = array<i32>} : memref<8x512xf32, #tpu.memory_space<vmem>>, vector<1x16xf32>,
      %get3A_49 = vector.shape_cast %get3A_48 : vector<1x16xf32> to vector<16xf32>
      %broadcast_in_dim3A = arith.constant 0.000000e+00 : f32
      %broadcast_in_dim3A_50 = vector.broadcast %broadcast_in_dim3A : f32 to vector<16xf32>
      %broadcast_in_dim3A_51 = arith.constant 0xFF800000 : f32
      %broadcast_in_dim3A_52 = vector.broadcast %broadcast_in_dim3A_51 : f32 to vector<16xf32>
      %broadcast_in_dim3A_53 = arith.constant 0.000000e+00 : f32
      %broadcast_in_dim3A_54 = vector.broadcast %broadcast_in_dim3A_53 : f32 to vector<16xf32>
      %broadcast_in_dim3A_55 = arith.constant 1.000000e+00 : f32
      %broadcast_in_dim3A_56 = vector.broadcast %broadcast_in_dim3A_55 : f32 to vector<16xf32>
      %gt3A = arith.cmpf ogt, %get3A_19, %get3A_14 : vector<16xf32>
      %gt3A_57 = arith.cmpf ogt, %get3A_19, %broadcast_in_dim3A_52 : vector<16xf32>
      %select_n3A = arith.select %gt3A_57, %get3A_19, %broadcast_in_dim3A_52 : vector<16xi1>, vector<16xf32>
      %select_n3A_58 = arith.select %gt3A, %get3A_14, %select_n3A : vector<16xi1>, vector<16xf32>
      %select_n3A_59 = arith.select %gt3A_57, %broadcast_in_dim3A_56, %broadcast_in_dim3A_54 : vector<16xi1>, vector<16xf32>
      %select_n3A_60 = arith.select %gt3A, %broadcast_in_dim3A_50, %select_n3A_59 : vector<16xi1>, vector<16xf32>
      %select_n3A_61 = arith.select %gt3A, %get3A_19, %get3A_14 : vector<16xi1>, vector<16xf32>
      %select_n3A_62 = arith.select %gt3A, %broadcast_in_dim3A_56, %broadcast_in_dim3A_50 : vector<16xi1>, vector<16xf32>
      %broadcast_in_dim3A_63 = arith.constant 2.000000e+00 : f32
      %broadcast_in_dim3A_64 = vector.broadcast %broadcast_in_dim3A_63 : f32 to vector<16xf32>
      %gt3A_65 = arith.cmpf ogt, %get3A_24, %select_n3A_61 : vector<16xf32>
      %gt3A_66 = arith.cmpf ogt, %get3A_24, %select_n3A_58 : vector<16xf32>
      %select_n3A_67 = arith.select %gt3A_66, %get3A_24, %select_n3A_58 : vector<16xi1>, vector<16xf32>
      %select_n3A_68 = arith.select %gt3A_65, %select_n3A_61, %select_n3A_67 : vector<16xi1>, vector<16xf32>
      %select_n3A_69 = arith.select %gt3A_66, %broadcast_in_dim3A_64, %select_n3A_60 : vector<16xi1>, vector<16xf32>
      %select_n3A_70 = arith.select %gt3A_65, %select_n3A_62, %select_n3A_69 : vector<16xi1>, vector<16xf32>
      %select_n3A_71 = arith.select %gt3A_65, %get3A_24, %select_n3A_61 : vector<16xi1>, vector<16xf32>
      %select_n3A_72 = arith.select %gt3A_65, %broadcast_in_dim3A_64, %select_n3A_62 : vector<16xi1>, vector<16xf32>
      %broadcast_in_dim3A_73 = arith.constant 3.000000e+00 : f32
      %broadcast_in_dim3A_74 = vector.broadcast %broadcast_in_dim3A_73 : f32 to vector<16xf32>
      %gt3A_75 = arith.cmpf ogt, %get3A_29, %select_n3A_71 : vector<16xf32>
      %gt3A_76 = arith.cmpf ogt, %get3A_29, %select_n3A_68 : vector<16xf32>
      %select_n3A_77 = arith.select %gt3A_76, %get3A_29, %select_n3A_68 : vector<16xi1>, vector<16xf32>
      %select_n3A_78 = arith.select %gt3A_75, %select_n3A_71, %select_n3A_77 : vector<16xi1>, vector<16xf32>
      %select_n3A_79 = arith.select %gt3A_76, %broadcast_in_dim3A_74, %select_n3A_70 : vector<16xi1>, vector<16xf32>
      %select_n3A_80 = arith.select %gt3A_75, %select_n3A_72, %select_n3A_79 : vector<16xi1>, vector<16xf32>
      %select_n3A_81 = arith.select %gt3A_75, %get3A_29, %select_n3A_71 : vector<16xi1>, vector<16xf32>
      %select_n3A_82 = arith.select %gt3A_75, %broadcast_in_dim3A_74, %select_n3A_72 : vector<16xi1>, vector<16xf32>
      %broadcast_in_dim3A_83 = arith.constant 4.000000e+00 : f32
      %broadcast_in_dim3A_84 = vector.broadcast %broadcast_in_dim3A_83 : f32 to vector<16xf32>
      %gt3A_85 = arith.cmpf ogt, %get3A_34, %select_n3A_81 : vector<16xf32>
      %gt3A_86 = arith.cmpf ogt, %get3A_34, %select_n3A_78 : vector<16xf32>
      %select_n3A_87 = arith.select %gt3A_86, %get3A_34, %select_n3A_78 : vector<16xi1>, vector<16xf32>
      %select_n3A_88 = arith.select %gt3A_85, %select_n3A_81, %select_n3A_87 : vector<16xi1>, vector<16xf32>
      %select_n3A_89 = arith.select %gt3A_86, %broadcast_in_dim3A_84, %select_n3A_80 : vector<16xi1>, vector<16xf32>
      %select_n3A_90 = arith.select %gt3A_85, %select_n3A_82, %select_n3A_89 : vector<16xi1>, vector<16xf32>
      %select_n3A_91 = arith.select %gt3A_85, %get3A_34, %select_n3A_81 : vector<16xi1>, vector<16xf32>
      %select_n3A_92 = arith.select %gt3A_85, %broadcast_in_dim3A_84, %select_n3A_82 : vector<16xi1>, vector<16xf32>
      %broadcast_in_dim3A_93 = arith.constant 5.000000e+00 : f32
      %broadcast_in_dim3A_94 = vector.broadcast %broadcast_in_dim3A_93 : f32 to vector<16xf32>
      %gt3A_95 = arith.cmpf ogt, %get3A_39, %select_n3A_91 : vector<16xf32>
      %gt3A_96 = arith.cmpf ogt, %get3A_39, %select_n3A_88 : vector<16xf32>
      %select_n3A_97 = arith.select %gt3A_96, %get3A_39, %select_n3A_88 : vector<16xi1>, vector<16xf32>
      %select_n3A_98 = arith.select %gt3A_95, %select_n3A_91, %select_n3A_97 : vector<16xi1>, vector<16xf32>
      %select_n3A_99 = arith.select %gt3A_96, %broadcast_in_dim3A_94, %select_n3A_90 : vector<16xi1>, vector<16xf32>
      %select_n3A_100 = arith.select %gt3A_95, %select_n3A_92, %select_n3A_99 : vector<16xi1>, vector<16xf32>
      %select_n3A_101 = arith.select %gt3A_95, %get3A_39, %select_n3A_91 : vector<16xi1>, vector<16xf32>
      %select_n3A_102 = arith.select %gt3A_95, %broadcast_in_dim3A_94, %select_n3A_92 : vector<16xi1>, vector<16xf32>
      %broadcast_in_dim3A_103 = arith.constant 6.000000e+00 : f32
      %broadcast_in_dim3A_104 = vector.broadcast %broadcast_in_dim3A_103 : f32 to vector<16xf32>
      %gt3A_105 = arith.cmpf ogt, %get3A_44, %select_n3A_101 : vector<16xf32>
      %gt3A_106 = arith.cmpf ogt, %get3A_44, %select_n3A_98 : vector<16xf32>
      %select_n3A_107 = arith.select %gt3A_106, %get3A_44, %select_n3A_98 : vector<16xi1>, vector<16xf32>
      %select_n3A_108 = arith.select %gt3A_105, %select_n3A_101, %select_n3A_107 : vector<16xi1>, vector<16xf32>
      %select_n3A_109 = arith.select %gt3A_106, %broadcast_in_dim3A_104, %select_n3A_100 : vector<16xi1>, vector<16xf32>
      %select_n3A_110 = arith.select %gt3A_105, %select_n3A_102, %select_n3A_109 : vector<16xi1>, vector<16xf32>
      %select_n3A_111 = arith.select %gt3A_105, %get3A_44, %select_n3A_101 : vector<16xi1>, vector<16xf32>
      %select_n3A_112 = arith.select %gt3A_105, %broadcast_in_dim3A_104, %select_n3A_102 : vector<16xi1>, vector<16xf32>
      %broadcast_in_dim3A_113 = arith.constant 7.000000e+00 : f32
      %broadcast_in_dim3A_114 = vector.broadcast %broadcast_in_dim3A_113 : f32 to vector<16xf32>
      %gt3A_115 = arith.cmpf ogt, %get3A_49, %select_n3A_111 : vector<16xf32>
      %gt3A_116 = arith.cmpf ogt, %get3A_49, %select_n3A_108 : vector<16xf32>
      %select_n3A_117 = arith.select %gt3A_116, %get3A_49, %select_n3A_108 : vector<16xi1>, vector<16xf32>
      %select_n3A_118 = arith.select %gt3A_115, %select_n3A_111, %select_n3A_117 : vector<16xi1>, vector<16xf32>
      %select_n3A_119 = arith.select %gt3A_116, %broadcast_in_dim3A_114, %select_n3A_110 : vector<16xi1>, vector<16xf32>
      %select_n3A_120 = arith.select %gt3A_115, %select_n3A_112, %select_n3A_119 : vector<16xi1>, vector<16xf32>
      %select_n3A_121 = arith.select %gt3A_115, %get3A_49, %select_n3A_111 : vector<16xi1>, vector<16xf32>
      %select_n3A_122 = arith.select %gt3A_115, %broadcast_in_dim3A_114, %select_n3A_112 : vector<16xi1>, vector<16xf32>
      %mul3A_123 = arith.constant 0.000000e+00 : f32
      %mul3A_124 = vector.broadcast %mul3A_123 : f32 to vector<16xf32>
      %mul3A_125 = arith.mulf %get3A_14, %mul3A_124 : vector<16xf32>
      %sub3A = arith.subf %get3A_14, %select_n3A_121 : vector<16xf32>
      %exp3A = math.exp %sub3A : vector<16xf32>
      %add3A_126 = arith.addf %mul3A_125, %exp3A : vector<16xf32>
      %sub3A_127 = arith.subf %get3A_19, %select_n3A_121 : vector<16xf32>
      %exp3A_128 = math.exp %sub3A_127 : vector<16xf32>
      %add3A_129 = arith.addf %add3A_126, %exp3A_128 : vector<16xf32>
      %sub3A_130 = arith.subf %get3A_24, %select_n3A_121 : vector<16xf32>
      %exp3A_131 = math.exp %sub3A_130 : vector<16xf32>
      %add3A_132 = arith.addf %add3A_129, %exp3A_131 : vector<16xf32>
      %sub3A_133 = arith.subf %get3A_29, %select_n3A_121 : vector<16xf32>
      %exp3A_134 = math.exp %sub3A_133 : vector<16xf32>
      %add3A_135 = arith.addf %add3A_132, %exp3A_134 : vector<16xf32>
      %sub3A_136 = arith.subf %get3A_34, %select_n3A_121 : vector<16xf32>
      %exp3A_137 = math.exp %sub3A_136 : vector<16xf32>
      %add3A_138 = arith.addf %add3A_135, %exp3A_137 : vector<16xf32>
      %sub3A_139 = arith.subf %get3A_39, %select_n3A_121 : vector<16xf32>
      %exp3A_140 = math.exp %sub3A_139 : vector<16xf32>
      %add3A_141 = arith.addf %add3A_138, %exp3A_140 : vector<16xf32>
      %sub3A_142 = arith.subf %get3A_44, %select_n3A_121 : vector<16xf32>
      %exp3A_143 = math.exp %sub3A_142 : vector<16xf32>
      %add3A_144 = arith.addf %add3A_141, %exp3A_143 : vector<16xf32>
      %sub3A_145 = arith.subf %get3A_49, %select_n3A_121 : vector<16xf32>
      %exp3A_146 = math.exp %sub3A_145 : vector<16xf32>
      %add3A_147 = arith.addf %add3A_144, %exp3A_146 : vector<16xf32>
      %div3A = arith.constant 1.000000e+00 : f32
      %div3A_148 = vector.broadcast %div3A : f32 to vector<16xf32>
      %div3A_149 = arith.divf %div3A_148, %add3A_147 : vector<16xf32>
      %sub3A_150 = arith.subf %select_n3A_118, %select_n3A_121 : vector<16xf32>
      %exp3A_151 = math.exp %sub3A_150 : vector<16xf32>
      %div3A_152 = arith.divf %exp3A_151, %add3A_147 : vector<16xf32>
      %sub3A_153 = arith.subf %div3A_152, %div3A_149 : vector<16xf32>
      %exp3A_154 = math.exp %sub3A_153 : vector<16xf32>
      %add3A_155 = arith.constant 1.000000e+00 : f32
      %add3A_156 = vector.broadcast %add3A_155 : f32 to vector<16xf32>
      %add3A_157 = arith.addf %add3A_156, %exp3A_154 : vector<16xf32>
      %div3A_158 = arith.constant 1.000000e+00 : f32
      %div3A_159 = vector.broadcast %div3A_158 : f32 to vector<16xf32>
      %div3A_160 = arith.divf %div3A_159, %add3A_157 : vector<16xf32>
      %swap3A = arith.constant 0 : i32
      %swap3A_161 = arith.index_cast %swap3A : i32 to index
      %swap3A_162 = arith.index_cast %mul3A_10 : i32 to index
      %swap3A_163 = tpu.vector_load %arg6[%swap3A_161, %swap3A_162] {strides = array<i32>} : memref<2x512xf32, #tpu.memory_space<vmem>>, vector<1x16xf32>,
      %swap3A_164 = vector.shape_cast %swap3A_163 : vector<1x16xf32> to vector<16xf32>
      %swap3A_165 = vector.shape_cast %div3A_160 : vector<16xf32> to vector<1x16xf32>
      tpu.vector_store %arg6[%swap3A_161, %swap3A_162], %swap3A_165 {strides = array<i32>} : memref<2x512xf32, #tpu.memory_space<vmem>>, vector<1x16xf32>,
      %sub3A_166 = arith.constant 1.000000e+00 : f32
      %sub3A_167 = vector.broadcast %sub3A_166 : f32 to vector<16xf32>
      %sub3A_168 = arith.subf %sub3A_167, %div3A_160 : vector<16xf32>
      %swap3A_169 = arith.constant 1 : i32
      %swap3A_170 = arith.index_cast %swap3A_169 : i32 to index
      %swap3A_171 = arith.index_cast %mul3A_10 : i32 to index
      %swap3A_172 = tpu.vector_load %arg6[%swap3A_170, %swap3A_171] {strides = array<i32>} : memref<2x512xf32, #tpu.memory_space<vmem>>, vector<1x16xf32>,
      %swap3A_173 = vector.shape_cast %swap3A_172 : vector<1x16xf32> to vector<16xf32>
      %swap3A_174 = vector.shape_cast %sub3A_168 : vector<16xf32> to vector<1x16xf32>
      tpu.vector_store %arg6[%swap3A_170, %swap3A_171], %swap3A_174 {strides = array<i32>} : memref<2x512xf32, #tpu.memory_space<vmem>>, vector<1x16xf32>,
      %convert_element_type3A = arith.fptosi %select_n3A_122 : vector<16xf32> to vector<16xi32>
      %swap3A_175 = arith.constant 0 : i32
      %swap3A_176 = arith.index_cast %swap3A_175 : i32 to index
      %swap3A_177 = arith.index_cast %mul3A_10 : i32 to index
      %swap3A_178 = tpu.vector_load %arg7[%swap3A_176, %swap3A_177] {strides = array<i32>} : memref<2x512xi32, #tpu.memory_space<vmem>>, vector<1x16xi32>,
      %swap3A_179 = vector.shape_cast %swap3A_178 : vector<1x16xi32> to vector<16xi32>
      %swap3A_180 = vector.shape_cast %convert_element_type3A : vector<16xi32> to vector<1x16xi32>
      tpu.vector_store %arg7[%swap3A_176, %swap3A_177], %swap3A_180 {strides = array<i32>} : memref<2x512xi32, #tpu.memory_space<vmem>>, vector<1x16xi32>,
      %convert_element_type3A_181 = arith.fptosi %select_n3A_120 : vector<16xf32> to vector<16xi32>
      %swap3A_182 = arith.constant 1 : i32
      %swap3A_183 = arith.index_cast %swap3A_182 : i32 to index
      %swap3A_184 = arith.index_cast %mul3A_10 : i32 to index
      %swap3A_185 = tpu.vector_load %arg7[%swap3A_183, %swap3A_184] {strides = array<i32>} : memref<2x512xi32, #tpu.memory_space<vmem>>, vector<1x16xi32>,
      %swap3A_186 = vector.shape_cast %swap3A_185 : vector<1x16xi32> to vector<16xi32>
      %swap3A_187 = vector.shape_cast %convert_element_type3A_181 : vector<16xi32> to vector<1x16xi32>
      tpu.vector_store %arg7[%swap3A_183, %swap3A_184], %swap3A_187 {strides = array<i32>} : memref<2x512xi32, #tpu.memory_space<vmem>>, vector<1x16xi32>,
    }
    %scan3A_7 = arith.constant 32 : i32
    "tpu.region"() ({
      %run_scoped3A = tpu.sem_alloc : memref<!tpu.dma_semaphore, #tpu.memory_space<semaphore_mem>>
      %dma_start3A = arith.constant 0 : i32
      %dma_start3A_8 = tpu.memref_slice %arg3[%dma_start3A, %mul3A_2] : memref<2x16384xf32, #tpu.memory_space<hbm>> -> memref<2x512xf32, #tpu.memory_space<hbm>>
      %dma_start3A_9 = arith.constant 0 : i32
      %dma_start3A_10 = tpu.memref_slice %arg3[%dma_start3A_9, %mul3A_2] : memref<2x16384xf32, #tpu.memory_space<hbm>> -> memref<2x512xf32, #tpu.memory_space<hbm>>
      tpu.enqueue_dma source(%arg6 : memref<2x512xf32, #tpu.memory_space<vmem>>) target(%dma_start3A_10 : memref<2x512xf32, #tpu.memory_space<hbm>>) target_semaphore(%run_scoped3A : memref<!tpu.dma_semaphore, #tpu.memory_space<semaphore_mem>>)
      %dma_wait3A = arith.constant 0 : i32
      %dma_wait3A_11 = tpu.memref_slice %arg3[%dma_wait3A, %mul3A_2] : memref<2x16384xf32, #tpu.memory_space<hbm>> -> memref<2x512xf32, #tpu.memory_space<hbm>>
      %dma_wait3A_12 = arith.constant 0 : i32
      %dma_wait3A_13 = tpu.memref_slice %arg3[%dma_wait3A_12, %mul3A_2] : memref<2x16384xf32, #tpu.memory_space<hbm>> -> memref<2x512xf32, #tpu.memory_space<hbm>>
      tpu.wait_dma2 semaphore(%run_scoped3A : memref<!tpu.dma_semaphore, #tpu.memory_space<semaphore_mem>>) src(%arg6 : memref<2x512xf32, #tpu.memory_space<vmem>>) dst(%dma_wait3A_13 : memref<2x512xf32, #tpu.memory_space<hbm>>)
      tpu.yield
    }) : () -> ()
    "tpu.region"() ({
      %run_scoped3A = tpu.sem_alloc : memref<!tpu.dma_semaphore, #tpu.memory_space<semaphore_mem>>
      %dma_start3A = arith.constant 0 : i32
      %dma_start3A_8 = tpu.memref_slice %arg4[%dma_start3A, %mul3A_2] : memref<2x16384xi32, #tpu.memory_space<hbm>> -> memref<2x512xi32, #tpu.memory_space<hbm>>
      %dma_start3A_9 = arith.constant 0 : i32
      %dma_start3A_10 = tpu.memref_slice %arg4[%dma_start3A_9, %mul3A_2] : memref<2x16384xi32, #tpu.memory_space<hbm>> -> memref<2x512xi32, #tpu.memory_space<hbm>>
      tpu.enqueue_dma source(%arg7 : memref<2x512xi32, #tpu.memory_space<vmem>>) target(%dma_start3A_10 : memref<2x512xi32, #tpu.memory_space<hbm>>) target_semaphore(%run_scoped3A : memref<!tpu.dma_semaphore, #tpu.memory_space<semaphore_mem>>)
      %dma_wait3A = arith.constant 0 : i32
      %dma_wait3A_11 = tpu.memref_slice %arg4[%dma_wait3A, %mul3A_2] : memref<2x16384xi32, #tpu.memory_space<hbm>> -> memref<2x512xi32, #tpu.memory_space<hbm>>
      %dma_wait3A_12 = arith.constant 0 : i32
      %dma_wait3A_13 = tpu.memref_slice %arg4[%dma_wait3A_12, %mul3A_2] : memref<2x16384xi32, #tpu.memory_space<hbm>> -> memref<2x512xi32, #tpu.memory_space<hbm>>
      tpu.wait_dma2 semaphore(%run_scoped3A : memref<!tpu.dma_semaphore, #tpu.memory_space<semaphore_mem>>) src(%arg7 : memref<2x512xi32, #tpu.memory_space<vmem>>) dst(%dma_wait3A_13 : memref<2x512xi32, #tpu.memory_space<hbm>>)
      tpu.yield
    }) : () -> ()
    return
  }
}

#map = affine_map<(d0, d1) -> (0, 0)>
module attributes {stable_mosaic.version = 14 : i64} {
  func.func @route(%arg0: i32, %arg1: i32, %arg2: memref<8x16384xf32, #tpu.memory_space<hbm>>, %arg3: memref<2x16384xf32, #tpu.memory_space<hbm>>, %arg4: memref<2x16384xi32, #tpu.memory_space<hbm>>, %arg5: memref<8x512xf32, #tpu.memory_space<vmem>>, %arg6: memref<2x512xf32, #tpu.memory_space<vmem>>, %arg7: memref<2x512xi32, #tpu.memory_space<vmem>>) attributes {dimension_semantics = [#tpu.dimension_semantics<core_parallel>, #tpu.dimension_semantics<subcore_parallel>], iteration_bounds = array<i64: 2, 16>, scalar_prefetch = 0 : i64, scratch_operands = 3 : i64, tpu.core_type = #tpu.core_type<sc_vector_subcore>, window_params = [{transform_indices = #map}, {transform_indices = #map}, {transform_indices = #map}]} {
    %mul3A = arith.constant 2 : i32
    %mul3A_0 = arith.muli %arg1, %mul3A : i32
    %add3A = arith.addi %mul3A_0, %arg0 : i32
    %mul3A_1 = arith.constant 512 : i32
    %mul3A_2 = arith.muli %add3A, %mul3A_1 : i32
    "tpu.region"() ({
      %run_scoped3A = tpu.sem_alloc : memref<!tpu.dma_semaphore, #tpu.memory_space<semaphore_mem>>
      %dma_start3A = arith.constant 0 : i32
      %dma_start3A_8 = tpu.memref_slice %arg2[%dma_start3A, %mul3A_2] : memref<8x16384xf32, #tpu.memory_space<hbm>> -> memref<8x512xf32, #tpu.memory_space<hbm>>
      %dma_start3A_9 = arith.constant 0 : i32
      %dma_start3A_10 = tpu.memref_slice %arg2[%dma_start3A_9, %mul3A_2] : memref<8x16384xf32, #tpu.memory_space<hbm>> -> memref<8x512xf32, #tpu.memory_space<hbm>>
      tpu.enqueue_dma source(%dma_start3A_10 : memref<8x512xf32, #tpu.memory_space<hbm>>) target(%arg5 : memref<8x512xf32, #tpu.memory_space<vmem>>) target_semaphore(%run_scoped3A : memref<!tpu.dma_semaphore, #tpu.memory_space<semaphore_mem>>)
      %dma_wait3A = arith.constant 0 : i32
      %dma_wait3A_11 = tpu.memref_slice %arg2[%dma_wait3A, %mul3A_2] : memref<8x16384xf32, #tpu.memory_space<hbm>> -> memref<8x512xf32, #tpu.memory_space<hbm>>
      %dma_wait3A_12 = arith.constant 0 : i32
      %dma_wait3A_13 = tpu.memref_slice %arg2[%dma_wait3A_12, %mul3A_2] : memref<8x16384xf32, #tpu.memory_space<hbm>> -> memref<8x512xf32, #tpu.memory_space<hbm>>
      tpu.wait_dma2 semaphore(%run_scoped3A : memref<!tpu.dma_semaphore, #tpu.memory_space<semaphore_mem>>) src(%dma_wait3A_13 : memref<8x512xf32, #tpu.memory_space<hbm>>) dst(%arg5 : memref<8x512xf32, #tpu.memory_space<vmem>>)
      tpu.yield
    }) : () -> ()
    %scan3A = arith.constant 0 : i32
    %scan3A_3 = arith.constant 0 : i32
    %scan3A_4 = arith.constant 32 : i32
    %scan3A_5 = arith.addi %scan3A_3, %scan3A_4 : i32
    %scan3A_6 = arith.constant 1 : i32
    scf.for %scan3A_8 = %scan3A_3 to %scan3A_5 step %scan3A_6  : i32 {
      %mul3A_9 = arith.constant 16 : i32
      %mul3A_10 = arith.muli %scan3A_8, %mul3A_9 : i32
      %get3A = arith.constant 0 : i32
      %get3A_11 = arith.index_cast %get3A : i32 to index
      %get3A_12 = arith.index_cast %mul3A_10 : i32 to index
      %get3A_13 = tpu.vector_load %arg5[%get3A_11, %get3A_12] {strides = array<i32>} : memref<8x512xf32, #tpu.memory_space<vmem>>, vector<1x16xf32>,
      %get3A_14 = vector.shape_cast %get3A_13 : vector<1x16xf32> to vector<16xf32>
      %get3A_15 = arith.constant 1 : i32
      %get3A_16 = arith.index_cast %get3A_15 : i32 to index
      %get3A_17 = arith.index_cast %mul3A_10 : i32 to index
      %get3A_18 = tpu.vector_load %arg5[%get3A_16, %get3A_17] {strides = array<i32>} : memref<8x512xf32, #tpu.memory_space<vmem>>, vector<1x16xf32>,
      %get3A_19 = vector.shape_cast %get3A_18 : vector<1x16xf32> to vector<16xf32>
      %get3A_20 = arith.constant 2 : i32
      %get3A_21 = arith.index_cast %get3A_20 : i32 to index
      %get3A_22 = arith.index_cast %mul3A_10 : i32 to index
      %get3A_23 = tpu.vector_load %arg5[%get3A_21, %get3A_22] {strides = array<i32>} : memref<8x512xf32, #tpu.memory_space<vmem>>, vector<1x16xf32>,
      %get3A_24 = vector.shape_cast %get3A_23 : vector<1x16xf32> to vector<16xf32>
      %get3A_25 = arith.constant 3 : i32
      %get3A_26 = arith.index_cast %get3A_25 : i32 to index
      %get3A_27 = arith.index_cast %mul3A_10 : i32 to index
      %get3A_28 = tpu.vector_load %arg5[%get3A_26, %get3A_27] {strides = array<i32>} : memref<8x512xf32, #tpu.memory_space<vmem>>, vector<1x16xf32>,
      %get3A_29 = vector.shape_cast %get3A_28 : vector<1x16xf32> to vector<16xf32>
      %get3A_30 = arith.constant 4 : i32
      %get3A_31 = arith.index_cast %get3A_30 : i32 to index
      %get3A_32 = arith.index_cast %mul3A_10 : i32 to index
      %get3A_33 = tpu.vector_load %arg5[%get3A_31, %get3A_32] {strides = array<i32>} : memref<8x512xf32, #tpu.memory_space<vmem>>, vector<1x16xf32>,
      %get3A_34 = vector.shape_cast %get3A_33 : vector<1x16xf32> to vector<16xf32>
      %get3A_35 = arith.constant 5 : i32
      %get3A_36 = arith.index_cast %get3A_35 : i32 to index
      %get3A_37 = arith.index_cast %mul3A_10 : i32 to index
      %get3A_38 = tpu.vector_load %arg5[%get3A_36, %get3A_37] {strides = array<i32>} : memref<8x512xf32, #tpu.memory_space<vmem>>, vector<1x16xf32>,
      %get3A_39 = vector.shape_cast %get3A_38 : vector<1x16xf32> to vector<16xf32>
      %get3A_40 = arith.constant 6 : i32
      %get3A_41 = arith.index_cast %get3A_40 : i32 to index
      %get3A_42 = arith.index_cast %mul3A_10 : i32 to index
      %get3A_43 = tpu.vector_load %arg5[%get3A_41, %get3A_42] {strides = array<i32>} : memref<8x512xf32, #tpu.memory_space<vmem>>, vector<1x16xf32>,
      %get3A_44 = vector.shape_cast %get3A_43 : vector<1x16xf32> to vector<16xf32>
      %get3A_45 = arith.constant 7 : i32
      %get3A_46 = arith.index_cast %get3A_45 : i32 to index
      %get3A_47 = arith.index_cast %mul3A_10 : i32 to index
      %get3A_48 = tpu.vector_load %arg5[%get3A_46, %get3A_47] {strides = array<i32>} : memref<8x512xf32, #tpu.memory_space<vmem>>, vector<1x16xf32>,
      %get3A_49 = vector.shape_cast %get3A_48 : vector<1x16xf32> to vector<16xf32>
      %broadcast_in_dim3A = arith.constant 0.000000e+00 : f32
      %broadcast_in_dim3A_50 = vector.broadcast %broadcast_in_dim3A : f32 to vector<16xf32>
      %broadcast_in_dim3A_51 = arith.constant 0xFF800000 : f32
      %broadcast_in_dim3A_52 = vector.broadcast %broadcast_in_dim3A_51 : f32 to vector<16xf32>
      %broadcast_in_dim3A_53 = arith.constant 0.000000e+00 : f32
      %broadcast_in_dim3A_54 = vector.broadcast %broadcast_in_dim3A_53 : f32 to vector<16xf32>
      %broadcast_in_dim3A_55 = arith.constant 1.000000e+00 : f32
      %broadcast_in_dim3A_56 = vector.broadcast %broadcast_in_dim3A_55 : f32 to vector<16xf32>
      %gt3A = arith.cmpf ogt, %get3A_19, %get3A_14 : vector<16xf32>
      %gt3A_57 = arith.cmpf ogt, %get3A_19, %broadcast_in_dim3A_52 : vector<16xf32>
      %select_n3A = arith.select %gt3A_57, %get3A_19, %broadcast_in_dim3A_52 : vector<16xi1>, vector<16xf32>
      %select_n3A_58 = arith.select %gt3A, %get3A_14, %select_n3A : vector<16xi1>, vector<16xf32>
      %select_n3A_59 = arith.select %gt3A_57, %broadcast_in_dim3A_56, %broadcast_in_dim3A_54 : vector<16xi1>, vector<16xf32>
      %select_n3A_60 = arith.select %gt3A, %broadcast_in_dim3A_50, %select_n3A_59 : vector<16xi1>, vector<16xf32>
      %select_n3A_61 = arith.select %gt3A, %get3A_19, %get3A_14 : vector<16xi1>, vector<16xf32>
      %select_n3A_62 = arith.select %gt3A, %broadcast_in_dim3A_56, %broadcast_in_dim3A_50 : vector<16xi1>, vector<16xf32>
      %broadcast_in_dim3A_63 = arith.constant 2.000000e+00 : f32
      %broadcast_in_dim3A_64 = vector.broadcast %broadcast_in_dim3A_63 : f32 to vector<16xf32>
      %gt3A_65 = arith.cmpf ogt, %get3A_24, %select_n3A_61 : vector<16xf32>
      %gt3A_66 = arith.cmpf ogt, %get3A_24, %select_n3A_58 : vector<16xf32>
      %select_n3A_67 = arith.select %gt3A_66, %get3A_24, %select_n3A_58 : vector<16xi1>, vector<16xf32>
      %select_n3A_68 = arith.select %gt3A_65, %select_n3A_61, %select_n3A_67 : vector<16xi1>, vector<16xf32>
      %select_n3A_69 = arith.select %gt3A_66, %broadcast_in_dim3A_64, %select_n3A_60 : vector<16xi1>, vector<16xf32>
      %select_n3A_70 = arith.select %gt3A_65, %select_n3A_62, %select_n3A_69 : vector<16xi1>, vector<16xf32>
      %select_n3A_71 = arith.select %gt3A_65, %get3A_24, %select_n3A_61 : vector<16xi1>, vector<16xf32>
      %select_n3A_72 = arith.select %gt3A_65, %broadcast_in_dim3A_64, %select_n3A_62 : vector<16xi1>, vector<16xf32>
      %broadcast_in_dim3A_73 = arith.constant 3.000000e+00 : f32
      %broadcast_in_dim3A_74 = vector.broadcast %broadcast_in_dim3A_73 : f32 to vector<16xf32>
      %gt3A_75 = arith.cmpf ogt, %get3A_29, %select_n3A_71 : vector<16xf32>
      %gt3A_76 = arith.cmpf ogt, %get3A_29, %select_n3A_68 : vector<16xf32>
      %select_n3A_77 = arith.select %gt3A_76, %get3A_29, %select_n3A_68 : vector<16xi1>, vector<16xf32>
      %select_n3A_78 = arith.select %gt3A_75, %select_n3A_71, %select_n3A_77 : vector<16xi1>, vector<16xf32>
      %select_n3A_79 = arith.select %gt3A_76, %broadcast_in_dim3A_74, %select_n3A_70 : vector<16xi1>, vector<16xf32>
      %select_n3A_80 = arith.select %gt3A_75, %select_n3A_72, %select_n3A_79 : vector<16xi1>, vector<16xf32>
      %select_n3A_81 = arith.select %gt3A_75, %get3A_29, %select_n3A_71 : vector<16xi1>, vector<16xf32>
      %select_n3A_82 = arith.select %gt3A_75, %broadcast_in_dim3A_74, %select_n3A_72 : vector<16xi1>, vector<16xf32>
      %broadcast_in_dim3A_83 = arith.constant 4.000000e+00 : f32
      %broadcast_in_dim3A_84 = vector.broadcast %broadcast_in_dim3A_83 : f32 to vector<16xf32>
      %gt3A_85 = arith.cmpf ogt, %get3A_34, %select_n3A_81 : vector<16xf32>
      %gt3A_86 = arith.cmpf ogt, %get3A_34, %select_n3A_78 : vector<16xf32>
      %select_n3A_87 = arith.select %gt3A_86, %get3A_34, %select_n3A_78 : vector<16xi1>, vector<16xf32>
      %select_n3A_88 = arith.select %gt3A_85, %select_n3A_81, %select_n3A_87 : vector<16xi1>, vector<16xf32>
      %select_n3A_89 = arith.select %gt3A_86, %broadcast_in_dim3A_84, %select_n3A_80 : vector<16xi1>, vector<16xf32>
      %select_n3A_90 = arith.select %gt3A_85, %select_n3A_82, %select_n3A_89 : vector<16xi1>, vector<16xf32>
      %select_n3A_91 = arith.select %gt3A_85, %get3A_34, %select_n3A_81 : vector<16xi1>, vector<16xf32>
      %select_n3A_92 = arith.select %gt3A_85, %broadcast_in_dim3A_84, %select_n3A_82 : vector<16xi1>, vector<16xf32>
      %broadcast_in_dim3A_93 = arith.constant 5.000000e+00 : f32
      %broadcast_in_dim3A_94 = vector.broadcast %broadcast_in_dim3A_93 : f32 to vector<16xf32>
      %gt3A_95 = arith.cmpf ogt, %get3A_39, %select_n3A_91 : vector<16xf32>
      %gt3A_96 = arith.cmpf ogt, %get3A_39, %select_n3A_88 : vector<16xf32>
      %select_n3A_97 = arith.select %gt3A_96, %get3A_39, %select_n3A_88 : vector<16xi1>, vector<16xf32>
      %select_n3A_98 = arith.select %gt3A_95, %select_n3A_91, %select_n3A_97 : vector<16xi1>, vector<16xf32>
      %select_n3A_99 = arith.select %gt3A_96, %broadcast_in_dim3A_94, %select_n3A_90 : vector<16xi1>, vector<16xf32>
      %select_n3A_100 = arith.select %gt3A_95, %select_n3A_92, %select_n3A_99 : vector<16xi1>, vector<16xf32>
      %select_n3A_101 = arith.select %gt3A_95, %get3A_39, %select_n3A_91 : vector<16xi1>, vector<16xf32>
      %select_n3A_102 = arith.select %gt3A_95, %broadcast_in_dim3A_94, %select_n3A_92 : vector<16xi1>, vector<16xf32>
      %broadcast_in_dim3A_103 = arith.constant 6.000000e+00 : f32
      %broadcast_in_dim3A_104 = vector.broadcast %broadcast_in_dim3A_103 : f32 to vector<16xf32>
      %gt3A_105 = arith.cmpf ogt, %get3A_44, %select_n3A_101 : vector<16xf32>
      %gt3A_106 = arith.cmpf ogt, %get3A_44, %select_n3A_98 : vector<16xf32>
      %select_n3A_107 = arith.select %gt3A_106, %get3A_44, %select_n3A_98 : vector<16xi1>, vector<16xf32>
      %select_n3A_108 = arith.select %gt3A_105, %select_n3A_101, %select_n3A_107 : vector<16xi1>, vector<16xf32>
      %select_n3A_109 = arith.select %gt3A_106, %broadcast_in_dim3A_104, %select_n3A_100 : vector<16xi1>, vector<16xf32>
      %select_n3A_110 = arith.select %gt3A_105, %select_n3A_102, %select_n3A_109 : vector<16xi1>, vector<16xf32>
      %select_n3A_111 = arith.select %gt3A_105, %get3A_44, %select_n3A_101 : vector<16xi1>, vector<16xf32>
      %select_n3A_112 = arith.select %gt3A_105, %broadcast_in_dim3A_104, %select_n3A_102 : vector<16xi1>, vector<16xf32>
      %broadcast_in_dim3A_113 = arith.constant 7.000000e+00 : f32
      %broadcast_in_dim3A_114 = vector.broadcast %broadcast_in_dim3A_113 : f32 to vector<16xf32>
      %gt3A_115 = arith.cmpf ogt, %get3A_49, %select_n3A_111 : vector<16xf32>
      %gt3A_116 = arith.cmpf ogt, %get3A_49, %select_n3A_108 : vector<16xf32>
      %select_n3A_117 = arith.select %gt3A_116, %get3A_49, %select_n3A_108 : vector<16xi1>, vector<16xf32>
      %select_n3A_118 = arith.select %gt3A_115, %select_n3A_111, %select_n3A_117 : vector<16xi1>, vector<16xf32>
      %select_n3A_119 = arith.select %gt3A_116, %broadcast_in_dim3A_114, %select_n3A_110 : vector<16xi1>, vector<16xf32>
      %select_n3A_120 = arith.select %gt3A_115, %select_n3A_112, %select_n3A_119 : vector<16xi1>, vector<16xf32>
      %select_n3A_121 = arith.select %gt3A_115, %get3A_49, %select_n3A_111 : vector<16xi1>, vector<16xf32>
      %select_n3A_122 = arith.select %gt3A_115, %broadcast_in_dim3A_114, %select_n3A_112 : vector<16xi1>, vector<16xf32>
      %mul3A_123 = arith.constant 0.000000e+00 : f32
      %mul3A_124 = vector.broadcast %mul3A_123 : f32 to vector<16xf32>
      %mul3A_125 = arith.mulf %get3A_14, %mul3A_124 : vector<16xf32>
      %sub3A = arith.subf %get3A_14, %select_n3A_121 : vector<16xf32>
      %exp3A = math.exp %sub3A : vector<16xf32>
      %add3A_126 = arith.addf %mul3A_125, %exp3A : vector<16xf32>
      %sub3A_127 = arith.subf %get3A_19, %select_n3A_121 : vector<16xf32>
      %exp3A_128 = math.exp %sub3A_127 : vector<16xf32>
      %add3A_129 = arith.addf %add3A_126, %exp3A_128 : vector<16xf32>
      %sub3A_130 = arith.subf %get3A_24, %select_n3A_121 : vector<16xf32>
      %exp3A_131 = math.exp %sub3A_130 : vector<16xf32>
      %add3A_132 = arith.addf %add3A_129, %exp3A_131 : vector<16xf32>
      %sub3A_133 = arith.subf %get3A_29, %select_n3A_121 : vector<16xf32>
      %exp3A_134 = math.exp %sub3A_133 : vector<16xf32>
      %add3A_135 = arith.addf %add3A_132, %exp3A_134 : vector<16xf32>
      %sub3A_136 = arith.subf %get3A_34, %select_n3A_121 : vector<16xf32>
      %exp3A_137 = math.exp %sub3A_136 : vector<16xf32>
      %add3A_138 = arith.addf %add3A_135, %exp3A_137 : vector<16xf32>
      %sub3A_139 = arith.subf %get3A_39, %select_n3A_121 : vector<16xf32>
      %exp3A_140 = math.exp %sub3A_139 : vector<16xf32>
      %add3A_141 = arith.addf %add3A_138, %exp3A_140 : vector<16xf32>
      %sub3A_142 = arith.subf %get3A_44, %select_n3A_121 : vector<16xf32>
      %exp3A_143 = math.exp %sub3A_142 : vector<16xf32>
      %add3A_144 = arith.addf %add3A_141, %exp3A_143 : vector<16xf32>
      %sub3A_145 = arith.subf %get3A_49, %select_n3A_121 : vector<16xf32>
      %exp3A_146 = math.exp %sub3A_145 : vector<16xf32>
      %add3A_147 = arith.addf %add3A_144, %exp3A_146 : vector<16xf32>
      %div3A = arith.constant 1.000000e+00 : f32
      %div3A_148 = vector.broadcast %div3A : f32 to vector<16xf32>
      %div3A_149 = arith.divf %div3A_148, %add3A_147 : vector<16xf32>
      %sub3A_150 = arith.subf %select_n3A_118, %select_n3A_121 : vector<16xf32>
      %exp3A_151 = math.exp %sub3A_150 : vector<16xf32>
      %div3A_152 = arith.divf %exp3A_151, %add3A_147 : vector<16xf32>
      %sub3A_153 = arith.subf %div3A_152, %div3A_149 : vector<16xf32>
      %exp3A_154 = math.exp %sub3A_153 : vector<16xf32>
      %add3A_155 = arith.constant 1.000000e+00 : f32
      %add3A_156 = vector.broadcast %add3A_155 : f32 to vector<16xf32>
      %add3A_157 = arith.addf %add3A_156, %exp3A_154 : vector<16xf32>
      %div3A_158 = arith.constant 1.000000e+00 : f32
      %div3A_159 = vector.broadcast %div3A_158 : f32 to vector<16xf32>
      %div3A_160 = arith.divf %div3A_159, %add3A_157 : vector<16xf32>
      %swap3A = arith.constant 0 : i32
      %swap3A_161 = arith.index_cast %swap3A : i32 to index
      %swap3A_162 = arith.index_cast %mul3A_10 : i32 to index
      %swap3A_163 = tpu.vector_load %arg6[%swap3A_161, %swap3A_162] {strides = array<i32>} : memref<2x512xf32, #tpu.memory_space<vmem>>, vector<1x16xf32>,
      %swap3A_164 = vector.shape_cast %swap3A_163 : vector<1x16xf32> to vector<16xf32>
      %swap3A_165 = vector.shape_cast %div3A_160 : vector<16xf32> to vector<1x16xf32>
      tpu.vector_store %arg6[%swap3A_161, %swap3A_162], %swap3A_165 {strides = array<i32>} : memref<2x512xf32, #tpu.memory_space<vmem>>, vector<1x16xf32>,
      %sub3A_166 = arith.constant 1.000000e+00 : f32
      %sub3A_167 = vector.broadcast %sub3A_166 : f32 to vector<16xf32>
      %sub3A_168 = arith.subf %sub3A_167, %div3A_160 : vector<16xf32>
      %swap3A_169 = arith.constant 1 : i32
      %swap3A_170 = arith.index_cast %swap3A_169 : i32 to index
      %swap3A_171 = arith.index_cast %mul3A_10 : i32 to index
      %swap3A_172 = tpu.vector_load %arg6[%swap3A_170, %swap3A_171] {strides = array<i32>} : memref<2x512xf32, #tpu.memory_space<vmem>>, vector<1x16xf32>,
      %swap3A_173 = vector.shape_cast %swap3A_172 : vector<1x16xf32> to vector<16xf32>
      %swap3A_174 = vector.shape_cast %sub3A_168 : vector<16xf32> to vector<1x16xf32>
      tpu.vector_store %arg6[%swap3A_170, %swap3A_171], %swap3A_174 {strides = array<i32>} : memref<2x512xf32, #tpu.memory_space<vmem>>, vector<1x16xf32>,
      %convert_element_type3A = arith.fptosi %select_n3A_122 : vector<16xf32> to vector<16xi32>
      %swap3A_175 = arith.constant 0 : i32
      %swap3A_176 = arith.index_cast %swap3A_175 : i32 to index
      %swap3A_177 = arith.index_cast %mul3A_10 : i32 to index
      %swap3A_178 = tpu.vector_load %arg7[%swap3A_176, %swap3A_177] {strides = array<i32>} : memref<2x512xi32, #tpu.memory_space<vmem>>, vector<1x16xi32>,
      %swap3A_179 = vector.shape_cast %swap3A_178 : vector<1x16xi32> to vector<16xi32>
      %swap3A_180 = vector.shape_cast %convert_element_type3A : vector<16xi32> to vector<1x16xi32>
      tpu.vector_store %arg7[%swap3A_176, %swap3A_177], %swap3A_180 {strides = array<i32>} : memref<2x512xi32, #tpu.memory_space<vmem>>, vector<1x16xi32>,
      %convert_element_type3A_181 = arith.fptosi %select_n3A_120 : vector<16xf32> to vector<16xi32>
      %swap3A_182 = arith.constant 1 : i32
      %swap3A_183 = arith.index_cast %swap3A_182 : i32 to index
      %swap3A_184 = arith.index_cast %mul3A_10 : i32 to index
      %swap3A_185 = tpu.vector_load %arg7[%swap3A_183, %swap3A_184] {strides = array<i32>} : memref<2x512xi32, #tpu.memory_space<vmem>>, vector<1x16xi32>,
      %swap3A_186 = vector.shape_cast %swap3A_185 : vector<1x16xi32> to vector<16xi32>
      %swap3A_187 = vector.shape_cast %convert_element_type3A_181 : vector<16xi32> to vector<1x16xi32>
      tpu.vector_store %arg7[%swap3A_183, %swap3A_184], %swap3A_187 {strides = array<i32>} : memref<2x512xi32, #tpu.memory_space<vmem>>, vector<1x16xi32>,
    }
    %scan3A_7 = arith.constant 32 : i32
    "tpu.region"() ({
      %run_scoped3A = tpu.sem_alloc : memref<!tpu.dma_semaphore, #tpu.memory_space<semaphore_mem>>
      %dma_start3A = arith.constant 0 : i32
      %dma_start3A_8 = tpu.memref_slice %arg3[%dma_start3A, %mul3A_2] : memref<2x16384xf32, #tpu.memory_space<hbm>> -> memref<2x512xf32, #tpu.memory_space<hbm>>
      %dma_start3A_9 = arith.constant 0 : i32
      %dma_start3A_10 = tpu.memref_slice %arg3[%dma_start3A_9, %mul3A_2] : memref<2x16384xf32, #tpu.memory_space<hbm>> -> memref<2x512xf32, #tpu.memory_space<hbm>>
      tpu.enqueue_dma source(%arg6 : memref<2x512xf32, #tpu.memory_space<vmem>>) target(%dma_start3A_10 : memref<2x512xf32, #tpu.memory_space<hbm>>) target_semaphore(%run_scoped3A : memref<!tpu.dma_semaphore, #tpu.memory_space<semaphore_mem>>)
      %dma_wait3A = arith.constant 0 : i32
      %dma_wait3A_11 = tpu.memref_slice %arg3[%dma_wait3A, %mul3A_2] : memref<2x16384xf32, #tpu.memory_space<hbm>> -> memref<2x512xf32, #tpu.memory_space<hbm>>
      %dma_wait3A_12 = arith.constant 0 : i32
      %dma_wait3A_13 = tpu.memref_slice %arg3[%dma_wait3A_12, %mul3A_2] : memref<2x16384xf32, #tpu.memory_space<hbm>> -> memref<2x512xf32, #tpu.memory_space<hbm>>
      tpu.wait_dma2 semaphore(%run_scoped3A : memref<!tpu.dma_semaphore, #tpu.memory_space<semaphore_mem>>) src(%arg6 : memref<2x512xf32, #tpu.memory_space<vmem>>) dst(%dma_wait3A_13 : memref<2x512xf32, #tpu.memory_space<hbm>>)
      tpu.yield
    }) : () -> ()
    "tpu.region"() ({
      %run_scoped3A = tpu.sem_alloc : memref<!tpu.dma_semaphore, #tpu.memory_space<semaphore_mem>>
      %dma_start3A = arith.constant 0 : i32
      %dma_start3A_8 = tpu.memref_slice %arg4[%dma_start3A, %mul3A_2] : memref<2x16384xi32, #tpu.memory_space<hbm>> -> memref<2x512xi32, #tpu.memory_space<hbm>>
      %dma_start3A_9 = arith.constant 0 : i32
      %dma_start3A_10 = tpu.memref_slice %arg4[%dma_start3A_9, %mul3A_2] : memref<2x16384xi32, #tpu.memory_space<hbm>> -> memref<2x512xi32, #tpu.memory_space<hbm>>
      tpu.enqueue_dma source(%arg7 : memref<2x512xi32, #tpu.memory_space<vmem>>) target(%dma_start3A_10 : memref<2x512xi32, #tpu.memory_space<hbm>>) target_semaphore(%run_scoped3A : memref<!tpu.dma_semaphore, #tpu.memory_space<semaphore_mem>>)
      %dma_wait3A = arith.constant 0 : i32
      %dma_wait3A_11 = tpu.memref_slice %arg4[%dma_wait3A, %mul3A_2] : memref<2x16384xi32, #tpu.memory_space<hbm>> -> memref<2x512xi32, #tpu.memory_space<hbm>>
      %dma_wait3A_12 = arith.constant 0 : i32
      %dma_wait3A_13 = tpu.memref_slice %arg4[%dma_wait3A_12, %mul3A_2] : memref<2x16384xi32, #tpu.memory_space<hbm>> -> memref<2x512xi32, #tpu.memory_space<hbm>>
      tpu.wait_dma2 semaphore(%run_scoped3A : memref<!tpu.dma_semaphore, #tpu.memory_space<semaphore_mem>>) src(%arg7 : memref<2x512xi32, #tpu.memory_space<vmem>>) dst(%dma_wait3A_13 : memref<2x512xi32, #tpu.memory_space<hbm>>)
      tpu.yield
    }) : () -> ()
    return
  }
}

module attributes {stable_mosaic.version = 14 : i64} {
  func.func @_logits_body(%arg0: i32, %arg1: memref<4096x768xf32, #tpu.memory_space<vmem>>, %arg2: memref<768x8xf32, #tpu.memory_space<vmem>>, %arg3: memref<8x4096xf32, #tpu.memory_space<vmem>>) attributes {dimension_semantics = [#tpu.dimension_semantics<arbitrary>], iteration_bounds = array<i64: 4>, scalar_prefetch = 0 : i64, scratch_operands = 0 : i64, tpu.core_type = #tpu.core_type<tc>, window_params = [{transform_indices = @transform_0, window_bounds = array<i64: 4096, 768>}, {pipeline_mode = #tpu.pipeline_mode<synchronous>, transform_indices = @transform_1, window_bounds = array<i64: 768, 8>}, {transform_indices = @transform_2, window_bounds = array<i64: 8, 4096>}]} {
    %get3A = arith.constant 0 : index
    %get3A_0 = arith.constant 0 : index
    %get3A_1 = vector.load %arg1[%get3A, %get3A_0] : memref<4096x768xf32, #tpu.memory_space<vmem>>, vector<4096x768xf32>
    %get3A_2 = arith.constant 0 : index
    %get3A_3 = arith.constant 0 : index
    %get3A_4 = vector.load %arg2[%get3A_2, %get3A_3] : memref<768x8xf32, #tpu.memory_space<vmem>>, vector<768x8xf32>
    %dot_general3A = arith.constant dense<0.000000e+00> : vector<4096x8xf32>
    %dot_general3A_5 = tpu.matmul %get3A_1, %get3A_4, %dot_general3A {dimension_numbers = #tpu.dot_dimension_numbers<[1], [0], [0], [1], [0, 0, 1, 1], [], []>, transpose_lhs_hint = false} : vector<4096x768xf32>, vector<768x8xf32>, vector<4096x8xf32> -> vector<4096x8xf32>
    %transpose3A = tpu.transpose %dot_general3A_5, [1, 0] : vector<4096x8xf32> -> vector<8x4096xf32>
    %swap3A = arith.constant 0 : index
    %swap3A_6 = arith.constant 0 : index
    %swap3A_7 = vector.load %arg3[%swap3A, %swap3A_6] : memref<8x4096xf32, #tpu.memory_space<vmem>>, vector<8x4096xf32>
    tpu.vector_store %arg3[%swap3A, %swap3A_6], %transpose3A {strides = array<i32>} : memref<8x4096xf32, #tpu.memory_space<vmem>>, vector<8x4096xf32>,
    return
  }
  func.func @transform_0(%arg0: i32) -> (i32, i32) {
    %add3A = arith.constant 0 : i32
    %add3A_0 = arith.addi %add3A, %arg0 : i32
    %c0_i32 = arith.constant 0 : i32
    %c0_i32_1 = arith.constant 0 : i32
    return %add3A_0, %c0_i32 : i32, i32
  }
  func.func @transform_1(%arg0: i32) -> (i32, i32) {
    %c0_i32 = arith.constant 0 : i32
    %c0_i32_0 = arith.constant 0 : i32
    %c0_i32_1 = arith.constant 0 : i32
    return %c0_i32, %c0_i32_0 : i32, i32
  }
  func.func @transform_2(%arg0: i32) -> (i32, i32) {
    %c0_i32 = arith.constant 0 : i32
    %c0_i32_0 = arith.constant 0 : i32
    return %c0_i32, %arg0 : i32, i32
  }
}

module attributes {stable_mosaic.version = 14 : i64} {
  func.func @_logits_body(%arg0: i32, %arg1: memref<4096x768xf32, #tpu.memory_space<vmem>>, %arg2: memref<768x8xf32, #tpu.memory_space<vmem>>, %arg3: memref<8x4096xf32, #tpu.memory_space<vmem>>) attributes {dimension_semantics = [#tpu.dimension_semantics<arbitrary>], iteration_bounds = array<i64: 4>, scalar_prefetch = 0 : i64, scratch_operands = 0 : i64, tpu.core_type = #tpu.core_type<tc>, window_params = [{transform_indices = @transform_0, window_bounds = array<i64: 4096, 768>}, {pipeline_mode = #tpu.pipeline_mode<synchronous>, transform_indices = @transform_1, window_bounds = array<i64: 768, 8>}, {transform_indices = @transform_2, window_bounds = array<i64: 8, 4096>}]} {
    %get3A = arith.constant 0 : index
    %get3A_0 = arith.constant 0 : index
    %get3A_1 = vector.load %arg1[%get3A, %get3A_0] : memref<4096x768xf32, #tpu.memory_space<vmem>>, vector<4096x768xf32>
    %get3A_2 = arith.constant 0 : index
    %get3A_3 = arith.constant 0 : index
    %get3A_4 = vector.load %arg2[%get3A_2, %get3A_3] : memref<768x8xf32, #tpu.memory_space<vmem>>, vector<768x8xf32>
    %dot_general3A = arith.constant dense<0.000000e+00> : vector<4096x8xf32>
    %dot_general3A_5 = tpu.matmul %get3A_1, %get3A_4, %dot_general3A {dimension_numbers = #tpu.dot_dimension_numbers<[1], [0], [0], [1], [0, 0, 1, 1], [], []>, transpose_lhs_hint = false} : vector<4096x768xf32>, vector<768x8xf32>, vector<4096x8xf32> -> vector<4096x8xf32>
    %transpose3A = tpu.transpose %dot_general3A_5, [1, 0] : vector<4096x8xf32> -> vector<8x4096xf32>
    %swap3A = arith.constant 0 : index
    %swap3A_6 = arith.constant 0 : index
    %swap3A_7 = vector.load %arg3[%swap3A, %swap3A_6] : memref<8x4096xf32, #tpu.memory_space<vmem>>, vector<8x4096xf32>
    tpu.vector_store %arg3[%swap3A, %swap3A_6], %transpose3A {strides = array<i32>} : memref<8x4096xf32, #tpu.memory_space<vmem>>, vector<8x4096xf32>,
    return
  }
  func.func @transform_0(%arg0: i32) -> (i32, i32) {
    %add3A = arith.constant 4 : i32
    %add3A_0 = arith.addi %add3A, %arg0 : i32
    %c0_i32 = arith.constant 0 : i32
    %c0_i32_1 = arith.constant 0 : i32
    return %add3A_0, %c0_i32 : i32, i32
  }
  func.func @transform_1(%arg0: i32) -> (i32, i32) {
    %c0_i32 = arith.constant 0 : i32
    %c0_i32_0 = arith.constant 0 : i32
    %c0_i32_1 = arith.constant 0 : i32
    return %c0_i32, %c0_i32_0 : i32, i32
  }
  func.func @transform_2(%arg0: i32) -> (i32, i32) {
    %c0_i32 = arith.constant 0 : i32
    %c0_i32_0 = arith.constant 0 : i32
    return %c0_i32, %arg0 : i32, i32
  }
}

</mosaic_0001>

<sc_bundles>
// kernel: kernel.6.cloned.1.call-start
scs
__scs_entry_jumppad:
0x0: {  	(pc) =	sbr.rel $0x88, $3  }
0x1: {  	(tag) =	ssettag $0x0;
	lr =	simm.s32 $0x1  }
0x2: {  	[smem:$0x3F9F] =	sst lr;
	_ =	strace $0xD0000000  }
0x3: {  	_ = 	snop  }
0x4: {  	_ = 	snop  }
0x5: {  	_ = 	snop  }
0x6: {  	_ = 	snop  }
0x7: {  	_ = 	snop  }
__scs_overlays_trampoline_lowered:
0x8: {  	[smem:$0x3FAE] =	sst s0  }
0x9: {  	[smem:$0x3FAF] =	sst s1  }
0xa: {  	[smem:$0x3FB0] =	sst s2  }
0xb: {  	[smem:$0x3FB1] =	sst s3  }
0xc: {  	[smem:$0x3FB2] =	sst s4  }
0xd: {  	[smem:$0x3FB3] =	sst s5  }
0xe: {  	[smem:$0x3FB4] =	sst s6  }
0xf: {  	[smem:$0x3FB5] =	sst s7  }
0x10: {  	[smem:$0x3FB6] =	sst s8  }
0x11: {  	[smem:$0x3FB7] =	sst s9;
	s0 =	simm.s32 @!p0 $0x0  }
0x12: {  	s1 =	sld [smem:$0x3F9D];
	s0 =	simm.s32 @p0 $0x1  }
0x13: {  	[smem:$0x3FB8] =	sst s0;
	s0 =	simm.s32 @!p1 $0x0  }
0x14: {  	s2 =	sld [smem:$0x3F9C];
	s0 =	simm.s32 @p1 $0x1  }
0x15: {  	[smem:$0x3FB9] =	sst s0;
	s0 =	simm.s32 @!p2 $0x0  }
0x16: {  	s3 =	sld [smem:$0x3FDB];
	s0 =	simm.s32 @p2 $0x1  }
0x17: {  	s4 =	simm.s32 $0x1BF5;
	[smem:$0x3FBB] =	sst s0  }
0x18: {  	s0 =	sld [smem:$0x3F9E];
	_ =	swait.ge [sflag:s4], $0x0  }
0x19: {  	s7 =	sld [smem:$0x3F9F]  }
0x1a: {  	s8 =	sadd.s32 $0xFFFFE003, lr  }
0x1b: {  	s9 =	sadd.s32 $0xFFFFFEF7, lr;
	s5 =	simm.s32 $0xFFFFFFFF;
	p2 =	slt.u32 s8, $0xFFFFF086  }
0x1c: {  	p1 =	slt.u32 s9, $0xF7A;
	s5 =	simm.s32 @!p2 $0x0  }
0x1d: {  	s5 =	simm.s32 @p1 $0x1;
	p0 =	seq.s32 s7, s2  }
0x1e: {  	s7 =	smul.u32 @!p0 $0xF7A, s2;
	p2 =	seq.s32 @!p0 s5, $0x0  }
0x1f: {  	s9 =	smul.u32 $0xF7A, s1;
	s8 =	simm.s32 @!p0 $0x1BF5;
	p2 =	por !p2, p0  }
0x20: {  	[sflag:s8] =	ssyncset.s32 @!p0 $0xFFFFF086;
	s6 =	sadd.s32 @!p0 s3, s7;
	s7 =	simm.s32 @!p0 $0x108  }
0x21: {  	s3 =	sadd.s32 s3, s9;
	s6 =	sadd.s32 @!p0 $0x88, s6;
	s7 =	simm.s32 @p2 $0x1082  }
0x22: {  	[simem:s7], [sflag:s8] =	dma.local @!p0 [hbm:s6], $0xF7A  }
0x23: {  	s9 =	sor.u32 $0xD0000000, s2;
	s6 =	simm.s32 $0x108;
	_ =	swait.ge @!p0 [sflag:s8], $0x0  }
0x24: {  	s3 =	sadd.s32 $0x88, s3;
	s6 =	simm.s32 @!p1 $0x1082;
	[sflag:s4] =	ssyncset.s32 $0xFFFFF086  }
0x25: {  	[simem:s6], [sflag:s4] =	dma.local [hbm:s3], $0xF7A  }
0x26: {  	[smem:$0x3F9F] =	sst s1;
	(tag) =	ssettag s2;
	_ =	strace s9  }
0x27: {  	s1 =	sld [smem:$0x3FAF]  }
0x28: {  	s2 =	sld [smem:$0x3FB0]  }
0x29: {  	s4 =	sld [smem:$0x3FB2]  }
0x2a: {  	p0 =	seq.s32 s5, $0x0;
	s5 =	sld [smem:$0x3FB3]  }
0x2b: {  	s6 =	sld [smem:$0x3FB4]  }
0x2c: {  	s7 =	sld [smem:$0x3FB5]  }
0x2d: {  	s3 =	simm.s32 $0x108;
	s8 =	sld [smem:$0x3FB6]  }
0x2e: {  	s3 =	simm.s32 @!p0 $0x1082;
	s9 =	sld [smem:$0x3FB7]  }
0x2f: {  	lr =	sadd.s32 s0, s3;
	s0 =	sld [smem:$0x3FAE]  }
0x30: {  	s3 =	sld [smem:$0x3FB1]  }
0x31: {  	[smem:$0x3FBA] =	sst s10  }
0x32: {  	s10 =	sld [smem:$0x3FB8];
	_ =	sdelay $0x3  }
0x33: {  	p0 =	seq.s32 s10, $0x1;
	s10 =	sld [smem:$0x3FBA];
	_ =	sdelay $0x3  }
0x34: {  	[smem:$0x3FBA] =	sst s10  }
0x35: {  	s10 =	sld [smem:$0x3FB9];
	_ =	sdelay $0x3  }
0x36: {  	p1 =	seq.s32 s10, $0x1;
	s10 =	sld [smem:$0x3FBA];
	_ =	sdelay $0x3  }
0x37: {  	[smem:$0x3FBA] =	sst s10  }
0x38: {  	s10 =	sld [smem:$0x3FBB]  }
0x39: {  	_ = 	snop;
	(pc) =	sbr.ind lr, $3  }
0x3a: {  	_ = 	snop  }
0x3b: {  	_ = 	snop  }
0x3c: {  	p2 =	seq.s32 s10, $0x1;
	s10 =	sld [smem:$0x3FBA]  }
0x3d: {  	_ =	shalt  }
0x3e: {  	_ =	shalt  }
0x3f: {  	_ =	shalt  }
0x40: {  	_ =	shalt  }
0x41: {  	_ =	shalt  }
0x42: {  	_ =	shalt  }
0x43: {  	_ =	shalt  }
0x44: {  	_ =	shalt  }
0x45: {  	_ =	shalt  }
0x46: {  	_ =	shalt  }
0x47: {  	_ =	shalt  }
0x48: {  	_ =	shalt  }
0x49: {  	_ =	shalt  }
0x4a: {  	_ =	shalt  }
0x4b: {  	_ =	shalt  }
0x4c: {  	_ =	shalt  }
0x4d: {  	_ =	shalt  }
0x4e: {  	_ =	shalt  }
0x4f: {  	_ =	shalt  }
0x50: {  	_ =	shalt  }
0x51: {  	_ =	shalt  }
0x52: {  	_ =	shalt  }
0x53: {  	_ =	shalt  }
0x54: {  	_ =	shalt  }
0x55: {  	_ =	shalt  }
0x56: {  	_ =	shalt  }
0x57: {  	_ =	shalt  }
0x58: {  	_ =	shalt  }
0x59: {  	_ =	shalt  }
0x5a: {  	_ =	shalt  }
0x5b: {  	_ =	shalt  }
0x5c: {  	_ =	shalt  }
0x5d: {  	_ =	shalt  }
0x5e: {  	_ =	shalt  }
0x5f: {  	_ =	shalt  }
0x60: {  	_ =	shalt  }
0x61: {  	_ =	shalt  }
0x62: {  	_ =	shalt  }
0x63: {  	_ =	shalt  }
0x64: {  	_ =	shalt  }
0x65: {  	_ =	shalt  }
0x66: {  	_ =	shalt  }
0x67: {  	_ =	shalt  }
0x68: {  	_ =	shalt  }
0x69: {  	_ =	shalt  }
0x6a: {  	_ =	shalt  }
0x6b: {  	_ =	shalt  }
0x6c: {  	_ =	shalt  }
0x6d: {  	_ =	shalt  }
0x6e: {  	_ =	shalt  }
0x6f: {  	_ =	shalt  }
0x70: {  	_ =	shalt  }
0x71: {  	_ =	shalt  }
0x72: {  	_ =	shalt  }
0x73: {  	_ =	shalt  }
0x74: {  	_ =	shalt  }
0x75: {  	_ =	shalt  }
0x76: {  	_ =	shalt  }
0x77: {  	_ =	shalt  }
0x78: {  	_ =	shalt  }
0x79: {  	_ =	shalt  }
0x7a: {  	_ =	shalt  }
0x7b: {  	_ =	shalt  }
0x7c: {  	_ =	shalt  }
0x7d: {  	_ =	shalt  }
0x7e: {  	_ =	shalt  }
0x7f: {  	_ =	shalt  }
0x80: {  	_ =	shalt  }
0x81: {  	_ =	shalt  }
0x82: {  	_ =	shalt  }
0x83: {  	_ =	shalt  }
0x84: {  	_ =	shalt  }
0x85: {  	_ =	shalt  }
0x86: {  	_ =	shalt  }
0x87: {  	_ =	shalt  }
.Lfunc_end0:
.L_simem_size_0:
called_computation_lowered:
.L_overlay_start_0:
0x88: {  	s2 =	sld [smem:$0x3FD9]  }
0x89: {  	s3 =	sld [smem:$0x3FFE];
	_ =	sdelay $0x1  }
0x8a: {  	s1 =	srdreg.scid  }
0x8b: {  	s0 =	sand.u32 $0x1, s1  }
0x8c: {  	s15 =	sshll.u32 s0, $0xA;
	s2 =	sadd.s32 s3, s2  }
0x8d: {  	s2 =	sadd.s32 s2, s15  }
0x8e: {  	[smem:$0x3FC6] =	sst s2  }
0x8f: {  	_ = 	snop  }
0x90: {  	s2 =	sld [smem:$0x3FD0];
	_ =	sdelay $0x2  }
0x91: {  	s16 =	simm.s32 $0xB;
	s4 =	simm.s32 $0x10  }
0x92: {  	[smem:s4], [sflag:s16] =	dma.local [hbm:s2], $0x1  }
0x93: {  	_ =	swait.eq [sflag:s16], $0x1  }
0x94: {  	[sflag:s16] =	ssyncset.done $0x0  }
0x95: {  	[sflag:s16] =	ssyncadd.s32 $0xFFFFFFFF  }
0x96: {  	s17 =	sld [smem:$0x10];
	(tm) =	ssettm $0x1  }
0x97: {  	s18 =	sld [smem:$0x3FFB];
	_ =	sdelay $0x3  }
0x98: {  	_ =	strace s18  }
0x99: {  	s2 =	sld [smem:$0x3FFC];
	_ =	sdelay $0x3  }
0x9a: {  	_ =	strace s2  }
0x9b: {  	s2 =	sld [smem:$0x3FFD];
	_ =	sdelay $0x3  }
0x9c: {  	_ =	strace s2  }
0x9d: {  	_ =	strace $0x8FFFFFFF  }
0x9e: {  	s19 =	sld [smem:$0x3FDB];
	_ =	sdelay $0x1  }
0x9f: {  	s20 =	simm.s32 $_scs_section_size  }
0xa0: {  	s5 =	simm.s32 $_size__tile_overlayer_lowered;
	s6 =	simm.s32 $_tile_overlayer_lowered  }
0xa1: {  	s7 =	simm.s32 $0x1BFF;
	s21 =	sshll.u32 s6, $0x1;
	s4 =	sadd.s32 s20, s19  }
0xa2: {  	s22 =	simm.s32 $0x0;
	s5 =	sshll.u32 s5, $0x1;
	s6 =	sadd.s32 s21, s4  }
0xa3: {  	[timem:s22], [sflag:s7] =	dma.local [hbm:s6], s5  }
0xa4: {  	_ =	swait.ge [sflag:s7], s5  }
0xa5: {  	s5 =	ssub.s32 $0x0, s5;
	[sflag:s7] =	ssyncset.done $0x0  }
0xa6: {  	[sflag:s7] =	ssyncadd.s32 s5;
	_ =	sdelay $0x1  }
0xa7: {  	s23 =	simm.s32 $0x1B8B  }
0xa8: {  	_ =	swait.ge [sflag:s23], $0x1  }
0xa9: {  	[sflag:s23] =	ssyncset.done $0x0  }
0xaa: {  	[sflag:s23] =	ssyncadd.s32 $0xFFFFFFFF  }
0xab: {  	s5 =	sld [smem:$0x0]  }
0xac: {  	s6 =	sand.u32 $0xFFFFFFFE, s1  }
0xad: {  	p0 =	sne.s32 s1, s6  }
0xae: {  	s6 =	sshll.u32 @p0 s6, $0xE  }
0xaf: {  	s6 =	sadd.s32 @p0 $0x11B8D, s6;
	s7 =	sshll.u32 @p0 s5, $0x11  }
0xb0: {  	s6 =	sor.u32 @p0 s7, s6  }
0xb1: {  	[sflag:s6] =	ssyncadd.remote.s32 @p0 $0x1;
	_ =	sdelay $0x1  }
0xb2: {  	s6 =	simm.s32 @p0 $0x1B8D  }
0xb3: {  	_ =	swait.eq @p0 [sflag:s6], $0x1  }
0xb4: {  	[sflag:s6] =	ssyncadd.s32 @p0 $0xFFFFFFFF  }
0xb5: {  	s7 =	sshll.u32 @!p0 s1, $0xE  }
0xb6: {  	s7 =	sor.u32 @!p0 $0x4000, s7;
	s6 =	simm.s32 @!p0 $0x1B8D  }
0xb7: {  	s5 =	sshll.u32 @!p0 s5, $0x11;
	s7 =	sadd.s32 @!p0 $0x11B8D, s7;
	_ =	swait.eq @!p0 [sflag:s6], $0x1  }
0xb8: {  	s5 =	sor.u32 @!p0 s5, s7;
	[sflag:s6] =	ssyncadd.s32 @!p0 $0xFFFFFFFF  }
0xb9: {  	s25 =	simm.s32 $0x1B8E;
	s24 =	sld [smem:$0x3FFE];
	[sflag:s5] =	ssyncadd.remote.s32 @!p0 $0x1  }
0xba: {  	s26 =	simm.s32 $execute0_lowered;
	[smem:$0x3FD2] =	sst s25  }
0xbb: {  	s6 =	sshll.u32 s26, $0x1;
	_ =	strace $0x80000049;
	[dreg:$0x1] =	wrdreg $0xFFFFFFFF  }
0xbc: {  	s28 =	simm.s32 $_size_execute0_lowered;
	s4 =	sadd.s32 s4, s6;
	[dreg:$0x0] =	wrdreg $0x0  }
0xbd: {  	s6 =	sshll.u32 s28, $0x1;
	[dreg:$0x2] =	wrdreg s4  }
0xbe: {  	[dreg:$0x3] =	wrdreg s6  }
0xbf: {  	[dreg:$0x4] =	wrdreg $0xC0  }
0xc0: {  	_ =	task [dreg:s22], $0x5FFFF  }
0xc1: {  	[dreg:$0x1] =	wrdreg $0xFFFFFFFF  }
0xc2: {  	[dreg:$0x0] =	wrdreg $0x60  }
0xc3: {  	[dreg:$0x2] =	wrdreg s24  }
0xc4: {  	[dreg:$0x3] =	wrdreg s17  }
0xc5: {  	[dreg:$0x4] =	wrdreg $0x9  }
0xc6: {  	_ =	task.clear_ibuf [dreg:s22], $0x5FFFF;
	_ =	strace $0x90000049  }
0xc7: {  	s29 =	simm.s32 $0x9;
	_ =	strace $0x8000004B  }
0xc8: {  	_ =	swait.ge [sflag:s29], $0x1  }
0xc9: {  	[sflag:s29] =	ssyncadd.s32 $0xFFFFFFFF  }
0xca: {  	_ =	strace $0x9000004B  }
0xcb: {  	_ =	sfence  }
0xcc: {  	s30 =	sld [smem:$0x0];
	_ =	sdelay $0x2  }
0xcd: {  	s31 =	sshll.u32 s1, $0xD;
	s1 =	sshrl.u32 s1, $0x2  }
0xce: {  	s4 =	sand.u32 $0x4000, s31;
	s1 =	sadd.s32 s1, s30  }
0xcf: {  	s0 =	sor.u32 s4, s0;
	s1 =	sshll.u32 s1, $0x11  }
0xd0: {  	s0 =	sor.u32 s1, s0  }
0xd1: {  	s0 =	sadd.s32 $0x8F2B, s0  }
0xd2: {  	[sflag:s0] =	ssyncadd.remote.s32 $0x1  }
0xd3: {  	_ =	sfence.sel $0xFFFF  }
0xd4: {  	[dreg:$0x0] =	wrdreg $0xFFFFFFFF;
	(pc) =	sbr.abs _section_cstart, $3  }
0xd5: {  	[dreg:$0x1] =	wrdreg $0xFFFFFFFF  }
0xd6: {  	_ =	task.clear_ibuf [dreg:s22], $0x2FFFF;
	_ =	strace $0x9FFFFFFF  }
0xd7: {  	(tm) =	ssettm $0x7FFFFFFF  }
tec
execute0_lowered:
.L_overlay_start_1:
0x0: {  	(tag) =	ssettag $0x1  }
0x1: {  	s3 =	rddreg [dreg:$0x0]  }
0x2: {  	s5 =	rddreg [dreg:$0x1];
	s2 =	srdreg.scid  }
0x3: {  	s0 =	rddreg [dreg:$0x2];
	s1 =	stileid.u32  }
0x4: {  	s10 =	simm.s32 $0x0;
	s4 =	sand.u32 $0x1, s2;
	s2 =	simm.s32 $0x0  }
0x5: {  	s6 =	sshll.u32 s1, $0xA;
	s7 =	sshll.u32 s4, $0x9;
	[smem:$0x7FF] =	sst s2  }
0x6: {  	s4 =	ssub.s32 $0x2, s4;
	s6 =	sor.u32 s7, s6;
	_ =	strace $0x8000004A  }
0x7: {  	s31 =	sshrl.u32 s4, $0x1;
	s7 =	sshrl.u32 s6, $0x2;
	s6 =	sadd.s32 s6, s3  }
0x8: {  	s9 =	ssub.s32 s4, s31;
	s8 =	sadd.s32 s7, s3;
	s3 =	sadd.s32 $0x7400, s6  }
0x9: {  	s5 =	sadd.s32 s5, s7;
	s6 =	smax.u32 s9, $0x1;
	s7 =	simm.s32 $0x1  }
0xa: {  	v0 =	vimm.f32 $1.000000000e+00;
	v1 =	vimm.f32 $0.0e+00;
	s9 =	simm.s32 $0x1400;
	s4 =	sadd.s32 $0xB400, s8;
	s8 =	simm.s32 $0x1000  }
.LBB2_1:
0xb: {  	[tilespmem:s2], [sflag:$0x1] =	stream.linear.gather [hbm4b:s3+s2], $0x1000, $0x38;
	[tilespmem:$0x1800] =	vst v63  }
0xc: {  	s12 =	simm.s32 $0x0;
	_ =	swait.ge [sflag:s7], $0x1000  }
0xd: {  	s11 =	sand.u32 $0x70, s2;
	s12 =	sand.u32 $0x3FFFFC00, s12;
	[sflag:s7] =	ssyncset.done $0x0  }
0xe: {  	s12 =	sor.u32 s11, s12;
	[sflag:s7] =	ssyncadd.s32 $0xFFFFF000  }
0xf: {  	v2 =	vld [tilespmem:s12+$0x0]  }
0x10: {  	v3 =	vld [tilespmem:s12+$0x80];
	_ =	sdelay $0x1  }
0x11: {  	v4 =	vld [tilespmem:s12+$0x100];
	_ =	sdelay $0x1  }
0x12: {  	v5 =	vld [tilespmem:s12+$0x180]  }
0x13: {  	vm4 =	vgt.f32 v3, v2  }
0x14: {  	v6 =	vld [tilespmem:s12+$0x200];
	v7 =	vsel vm4, v3, v2  }
0x15: {  	vm5 =	vgt.f32 v4, v7  }
0x16: {  	v8 =	vld [tilespmem:s12+$0x280];
	v9 =	vsel vm5, v4, v7  }
0x17: {  	vm6 =	vgt.f32 v5, v9  }
0x18: {  	v10 =	vld [tilespmem:s12+$0x300];
	v11 =	vsel vm6, v5, v9  }
0x19: {  	vm2 =	vgt.f32 v6, v11  }
0x1a: {  	v12 =	vld [tilespmem:s12+$0x380];
	v13 =	vsel vm2, v6, v11  }
0x1b: {  	vm3 =	vgt.f32 v8, v13  }
0x1c: {  	v14 =	vsel vm3, v8, v13  }
0x1d: {  	vm1 =	vgt.f32 v10, v14  }
0x1e: {  	vm7 =	vlt.f32 v3, $-Inf;
	vm8 =	vgt.f32 v3, $-Inf;
	v15 =	vsel vm1, v10, v14  }
0x1f: {  	vm7 =	vmor vm8, vm7;
	vm0 =	vgt.f32 v12, v15  }
0x20: {  	vm7 =	vmneg vm7;
	v16 =	vsel vm0, v12, v15  }
0x21: {  	v18 =	vsel vm7, $0xFF800000, v3;
	v17 =	vsub.f32 v2, v16  }
0x22: {  	v18 =	vsel vm4, v2, v18  }
0x23: {  	vm8 =	vgt.f32 v4, v18;
	v3 =	vsub.f32 v3, v16;
	v17 =	vmul.f32 $1.442695020e+00, v17  }
0x24: {  	v51 =	vsel vm8, v4, v18  }
0x25: {  	v4 =	vsub.f32 v4, v16;
	v3 =	vmul.f32 $1.442695020e+00, v3;
	(erf) = vpow2.f32 v17;
	_ =	sdelay $0x1  }
0x26: {  	v4 =	vmul.f32 $1.442695020e+00, v4;
	(erf) = vpow2.f32 v3;
	v3 =	vsub.f32 v5, v16  }
0x27: {  	v7 =	vsel vm5, v7, v51  }
0x28: {  	v52 =	vsub.f32 v6, v16;
	(erf) = vpow2.f32 v4;
	v3 =	vmul.f32 $1.442695020e+00, v3  }
0x29: {  	vm9 =	vgt.f32 v5, v7;
	v54 =	vsub.f32 v8, v16  }
0x2a: {  	v5 =	vsel vm9, v5, v7;
	v7 =	vmul.f32 $1.442695020e+00, v52;
	(erf) = vpow2.f32 v3  }
0x2b: {  	v2 =	vmul.f32 $0.0e+00, v2;
	v3 =	vsub.f32 v10, v16  }
0x2c: {  	v53 =	vsel vm6, v9, v5;
	v5 =	vmul.f32 $1.442695020e+00, v54;
	(erf) = vpow2.f32 v7  }
0x2d: {  	v56 =	vsub.f32 v12, v16;
	vm10 =	vgt.f32 v6, v53;
	v3 =	vmul.f32 $1.442695020e+00, v3;
	v55 =	vpop (erf)  }
0x2e: {  	v4 =	vsel vm10, v6, v53;
	(erf) = vpow2.f32 v5;
	v2 =	vadd.f32 v55, v2  }
0x2f: {  	v4 =	vsel vm2, v11, v4;
	v57 =	vpop (erf);
	(erf) = vpow2.f32 v3;
	v3 =	vmul.f32 $1.442695020e+00, v56  }
0x30: {  	vm11 =	vgt.f32 v8, v4;
	v2 =	vadd.f32 v2, v57  }
0x31: {  	v4 =	vsel vm11, v8, v4;
	v58 =	vpop (erf)  }
0x32: {  	v4 =	vsel vm3, v13, v4;
	(erf) = vpow2.f32 v3;
	v2 =	vadd.f32 v2, v58  }
0x33: {  	vm12 =	vgt.f32 v10, v4;
	v3 =	vpop (erf)  }
0x34: {  	v4 =	vsel vm12, v10, v4;
	v2 =	vadd.f32 v2, v3  }
0x35: {  	v59 =	vpop (erf);
	v3 =	vsel vm1, v14, v4  }
0x36: {  	vm13 =	vgt.f32 v12, v3;
	v2 =	vadd.f32 v2, v59  }
0x37: {  	v3 =	vsel vm13, v12, v3;
	v60 =	vpop (erf)  }
0x38: {  	v3 =	vsel vm0, v15, v3;
	v2 =	vadd.f32 v2, v60  }
0x39: {  	v61 =	vpop (erf);
	v3 =	vsub.f32 v3, v16  }
0x3a: {  	v2 =	vadd.f32 v2, v61  }
0x3b: {  	v62 =	vpop (erf);
	v3 =	vmul.f32 $1.442695020e+00, v3  }
0x3c: {  	v2 =	vadd.f32 v2, v62  }
0x3d: {  	(erf) = vpow2.f32 v3  }
0x3e: {  	(erf) = vrcp.f32 v2;
	_ =	sdelay $0x7  }
0x3f: {  	v2 =	vpop (erf)  }
0x40: {  	v3 =	vpop (erf)  }
0x41: {  	v2 =	vmul.f32 v3, v2;
	_ =	sdelay $0x1  }
0x42: {  	v2 =	vsub.f32 v2, v3;
	_ =	sdelay $0x1  }
0x43: {  	v2 =	vmul.f32 $1.442695020e+00, v2;
	_ =	sdelay $0x1  }
0x44: {  	(erf) = vpow2.f32 v2;
	_ =	sdelay $0x1  }
0x45: {  	vm7 =	vmor vm4, vm7  }
0x46: {  	v2 =	vsel vm7, $0x0, v0  }
0x47: {  	v3 =	vsel vm4, $0x3F800000, v1;
	v2 =	vsel vm8, $0x40000000, v2  }
0x48: {  	v2 =	vsel vm5, v3, v2  }
0x49: {  	v3 =	vsel vm5, $0x40000000, v3;
	v2 =	vsel vm9, $0x40400000, v2  }
0x4a: {  	v2 =	vsel vm6, v3, v2  }
0x4b: {  	v3 =	vsel vm6, $0x40400000, v3;
	v2 =	vsel vm10, $0x40800000, v2  }
0x4c: {  	v2 =	vsel vm2, v3, v2;
	v63 =	vpop (erf)  }
0x4d: {  	v3 =	vsel vm2, $0x40800000, v3;
	v2 =	vsel vm11, $0x40A00000, v2;
	v4 =	vadd.f32 $1.000000000e+00, v63  }
0x4e: {  	v2 =	vsel vm3, v3, v2  }
0x4f: {  	v3 =	vsel vm3, $0x40A00000, v3;
	v2 =	vsel vm12, $0x40C00000, v2;
	(erf) = vrcp.f32 v4  }
0x50: {  	v2 =	vsel vm1, v3, v2  }
0x51: {  	v3 =	vsel vm1, $0x40C00000, v3;
	v2 =	vsel vm13, $0x40E00000, v2  }
0x52: {  	v2 =	vsel vm0, v3, v2  }
0x53: {  	v2 =	vtrunc.f32 v2  }
0x54: {  	s30 =	simm.s32 $0x0;
	v3 =	vsel vm0, $0x40E00000, v3;
	v2 =	vcvt.f32.s32 v2  }
0x55: {  	s12 =	sand.u32 $0xFFFFFF00, s30;
	v3 =	vtrunc.f32 v3  }
0x56: {  	s17 =	sor.u32 s11, s12;
	v3 =	vcvt.f32.s32 v3  }
0x57: {  	[tilespmem:s17+$0x1480] =	vst v2  }
0x58: {  	s31 =	simm.s32 $0x10;
	s18 =	simm.s32 $0x2;
	s16 =	simm.s32 $0x80;
	[tilespmem:s17+$0x1400] =	vst v3;
	v2 =	vpop (erf)  }
0x59: {  	s13 =	simm.s32 $0x20;
	s12 =	simm.s32 $0x1;
	s11 =	sand.u32 $0x70, s31;
	[tilespmem:s17+$0x1000] =	vst v2;
	v2 =	vsub.f32 $1.000000000e+00, v2  }
.LBB2_2:
0x5a: {  	s15 =	sand.u32 $0x70, s13  }
0x5b: {  	s19 =	sand.u32 $0x3FFFFC00, s16;
	s16 =	smov.u32 s18;
	s14 =	sadd.s32 $0x1, s18  }
0x5c: {  	p0 =	sne.s32 s18, $0x1F;
	s18 =	sor.u32 s11, s19;
	[tilespmem:s17+$0x1080] =	vst v2  }
0x5d: {  	v2 =	vld [tilespmem:s18+$0x0]  }
0x5e: {  	v3 =	vld [tilespmem:s18+$0x80]  }
0x5f: {  	v4 =	vld [tilespmem:s18+$0x100];
	_ =	sdelay $0x1  }
0x60: {  	v5 =	vld [tilespmem:s18+$0x180];
	_ =	sdelay $0x1  }
0x61: {  	v6 =	vld [tilespmem:s18+$0x200];
	vm0 =	vgt.f32 v3, v2;
	vm1 =	vlt.f32 v3, $-Inf;
	vm2 =	vgt.f32 v3, $-Inf  }
0x62: {  	vm1 =	vmor vm2, vm1;
	v7 =	vsel vm0, v3, v2  }
0x63: {  	v8 =	vld [tilespmem:s18+$0x280];
	vm1 =	vmneg vm1;
	vm2 =	vgt.f32 v4, v7  }
0x64: {  	v9 =	vsel vm1, $0xFF800000, v3;
	vm1 =	vmor vm0, vm1;
	v10 =	vsel vm2, v4, v7  }
0x65: {  	v12 =	vsel vm0, $0x3F800000, v1;
	v11 =	vld [tilespmem:s18+$0x300];
	v9 =	vsel vm0, v2, v9;
	vm0 =	vgt.f32 v5, v10  }
0x66: {  	v13 =	vsel vm1, $0x0, v0;
	vm1 =	vgt.f32 v4, v9;
	v14 =	vsel vm0, v5, v10  }
0x67: {  	v15 =	vld [tilespmem:s18+$0x380];
	v9 =	vsel vm1, v4, v9;
	v13 =	vsel vm1, $0x40000000, v13;
	vm3 =	vgt.f32 v6, v14  }
0x68: {  	v7 =	vsel vm2, v7, v9;
	v9 =	vsel vm2, v12, v13;
	v13 =	vsel vm3, v6, v14  }
0x69: {  	v12 =	vsel vm2, $0x40000000, v12;
	vm2 =	vgt.f32 v5, v7;
	vm1 =	vgt.f32 v8, v13  }
0x6a: {  	v7 =	vsel vm2, v5, v7;
	v9 =	vsel vm2, $0x40400000, v9;
	v16 =	vsel vm1, v8, v13  }
0x6b: {  	v7 =	vsel vm0, v10, v7;
	v9 =	vsel vm0, v12, v9;
	vm2 =	vgt.f32 v11, v16  }
0x6c: {  	v10 =	vsel vm0, $0x40400000, v12;
	vm0 =	vgt.f32 v6, v7;
	v12 =	vsel vm2, v11, v16  }
0x6d: {  	v7 =	vsel vm0, v6, v7;
	v9 =	vsel vm0, $0x40800000, v9;
	vm0 =	vgt.f32 v15, v12  }
0x6e: {  	v7 =	vsel vm3, v14, v7;
	v9 =	vsel vm3, v10, v9;
	v14 =	vsel vm0, v15, v12  }
0x6f: {  	vm4 =	vgt.f32 v8, v7;
	v17 =	vsub.f32 v2, v14;
	v5 =	vsub.f32 v5, v14  }
0x70: {  	v3 =	vsub.f32 v3, v14;
	v4 =	vsub.f32 v4, v14;
	v7 =	vsel vm4, v8, v7  }
0x71: {  	v6 =	vsub.f32 v6, v14;
	v9 =	vsel vm4, $0x40A00000, v9;
	v17 =	vmul.f32 $1.442695020e+00, v17  }
0x72: {  	v8 =	vsub.f32 v8, v14;
	v3 =	vmul.f32 $1.442695020e+00, v3;
	v4 =	vmul.f32 $1.442695020e+00, v4  }
0x73: {  	v18 =	vsub.f32 v11, v14;
	v6 =	vmul.f32 $1.442695020e+00, v6;
	(erf) = vpow2.f32 v17  }
0x74: {  	v8 =	vmul.f32 $1.442695020e+00, v8;
	v17 =	vsub.f32 v15, v14;
	(erf) = vpow2.f32 v3  }
0x75: {  	v7 =	vsel vm1, v13, v7;
	v3 =	vsel vm3, $0x40800000, v10;
	v10 =	vmul.f32 $1.442695020e+00, v18  }
0x76: {  	v5 =	vmul.f32 $1.442695020e+00, v5;
	vm3 =	vgt.f32 v11, v7;
	v13 =	vmul.f32 $1.442695020e+00, v17  }
0x77: {  	v9 =	vsel vm1, v3, v9;
	v7 =	vsel vm3, v11, v7;
	(erf) = vpow2.f32 v4  }
0x78: {  	v3 =	vsel vm1, $0x40A00000, v3;
	v4 =	vsel vm2, v16, v7;
	v7 =	vsel vm3, $0x40C00000, v9  }
0x79: {  	v9 =	vsel vm2, $0x40C00000, v3;
	vm1 =	vgt.f32 v15, v4;
	(erf) = vpow2.f32 v5  }
0x7a: {  	v2 =	vmul.f32 $0.0e+00, v2;
	v3 =	vsel vm2, v3, v7;
	v4 =	vsel vm1, v15, v4  }
0x7b: {  	v3 =	vsel vm1, $0x40E00000, v3;
	v4 =	vsel vm0, v12, v4;
	(erf) = vpow2.f32 v6  }
0x7c: {  	v5 =	vsel vm0, $0x40E00000, v9;
	v3 =	vsel vm0, v9, v3;
	v4 =	vsub.f32 v4, v14;
	v6 =	vpop (erf)  }
0x7d: {  	s17 =	sshll.u32 s12, $0x5;
	s12 =	smov.u32 s16;
	v3 =	vtrunc.f32 v3;
	v2 =	vadd.f32 v6, v2;
	v6 =	vpop (erf);
	(erf) = vpow2.f32 v8  }
0x7e: {  	s16 =	sand.u32 $0xFFFFFF00, s17;
	v7 =	vcvt.f32.s32 v3;
	v4 =	vmul.f32 $1.442695020e+00, v4  }
0x7f: {  	s17 =	sor.u32 s11, s16;
	s11 =	smov.u32 s15;
	v5 =	vtrunc.f32 v5;
	v2 =	vadd.f32 v2, v6;
	(erf) = vpow2.f32 v10  }
0x80: {  	v5 =	vcvt.f32.s32 v5;
	[tilespmem:s17+$0x1480] =	vst v7;
	v3 =	vpop (erf)  }
0x81: {  	v2 =	vadd.f32 v2, v3;
	(erf) = vpow2.f32 v13  }
0x82: {  	[tilespmem:s17+$0x1400] =	vst v5;
	v3 =	vpop (erf)  }
0x83: {  	v2 =	vadd.f32 v2, v3  }
0x84: {  	v3 =	vpop (erf)  }
0x85: {  	v2 =	vadd.f32 v2, v3  }
0x86: {  	v3 =	vpop (erf)  }
0x87: {  	v2 =	vadd.f32 v2, v3  }
0x88: {  	v3 =	vpop (erf)  }
0x89: {  	v2 =	vadd.f32 v2, v3  }
0x8a: {  	v3 =	vpop (erf)  }
0x8b: {  	v2 =	vadd.f32 v2, v3  }
0x8c: {  	(erf) = vpow2.f32 v4  }
0x8d: {  	(erf) = vrcp.f32 v2;
	_ =	sdelay $0x7  }
0x8e: {  	v2 =	vpop (erf)  }
0x8f: {  	v3 =	vpop (erf)  }
0x90: {  	v2 =	vmul.f32 v3, v2;
	_ =	sdelay $0x1  }
0x91: {  	v2 =	vsub.f32 v2, v3;
	_ =	sdelay $0x1  }
0x92: {  	v2 =	vmul.f32 $1.442695020e+00, v2;
	_ =	sdelay $0x1  }
0x93: {  	(erf) = vpow2.f32 v2;
	_ =	sdelay $0x8  }
0x94: {  	v2 =	vpop (erf)  }
0x95: {  	v2 =	vadd.f32 $1.000000000e+00, v2;
	_ =	sdelay $0x1  }
0x96: {  	(erf) = vrcp.f32 v2;
	_ =	sdelay $0x5  }
.Ltmp0:
0x97: {  	(pc) =	sbr.rel @p0 .LBB2_2-.Ltmp0, $3  }
0x98: {  	_ =	sdelay $0x1  }
0x99: {  	v2 =	vpop (erf)  }
0x9a: {  	s13 =	sadd.s32 $0x10, s13;
	s16 =	sshll.u32 s12, $0x7;
	s18 =	smov.u32 s14;
	[tilespmem:s17+$0x1000] =	vst v2;
	v2 =	vsub.f32 $1.000000000e+00, v2  }
0x9b: {  	s13 =	sand.u32 $0x3FFFFC00, s16  }
0x9c: {  	s13 =	sor.u32 s11, s13;
	[tilespmem:s17+$0x1080] =	vst v2  }
0x9d: {  	v2 =	vld [tilespmem:s13+$0x0]  }
0x9e: {  	v3 =	vld [tilespmem:s13+$0x80];
	_ =	sdelay $0x1  }
0x9f: {  	v4 =	vld [tilespmem:s13+$0x100];
	_ =	sdelay $0x1  }
0xa0: {  	v5 =	vld [tilespmem:s13+$0x180]  }
0xa1: {  	vm5 =	vgt.f32 v3, v2  }
0xa2: {  	v6 =	vld [tilespmem:s13+$0x200];
	v7 =	vsel vm5, v3, v2  }
0xa3: {  	vm6 =	vgt.f32 v4, v7  }
0xa4: {  	v8 =	vld [tilespmem:s13+$0x280];
	v9 =	vsel vm6, v4, v7  }
0xa5: {  	vm4 =	vgt.f32 v5, v9  }
0xa6: {  	v10 =	vld [tilespmem:s13+$0x300];
	v11 =	vsel vm4, v5, v9  }
0xa7: {  	vm2 =	vgt.f32 v6, v11  }
0xa8: {  	v12 =	vld [tilespmem:s13+$0x380];
	v13 =	vsel vm2, v6, v11  }
0xa9: {  	vm3 =	vgt.f32 v8, v13  }
0xaa: {  	v14 =	vsel vm3, v8, v13  }
0xab: {  	vm1 =	vgt.f32 v10, v14  }
0xac: {  	vm7 =	vlt.f32 v3, $-Inf;
	vm8 =	vgt.f32 v3, $-Inf;
	v15 =	vsel vm1, v10, v14  }
0xad: {  	vm7 =	vmor vm8, vm7;
	vm0 =	vgt.f32 v12, v15  }
0xae: {  	vm7 =	vmneg vm7;
	v16 =	vsel vm0, v12, v15  }
0xaf: {  	v18 =	vsel vm7, $0xFF800000, v3;
	v17 =	vsub.f32 v2, v16  }
0xb0: {  	v18 =	vsel vm5, v2, v18  }
0xb1: {  	vm8 =	vgt.f32 v4, v18;
	v3 =	vsub.f32 v3, v16;
	v17 =	vmul.f32 $1.442695020e+00, v17  }
0xb2: {  	v51 =	vsel vm8, v4, v18  }
0xb3: {  	v4 =	vsub.f32 v4, v16;
	v3 =	vmul.f32 $1.442695020e+00, v3;
	(erf) = vpow2.f32 v17;
	_ =	sdelay $0x1  }
0xb4: {  	v4 =	vmul.f32 $1.442695020e+00, v4;
	(erf) = vpow2.f32 v3;
	v3 =	vsub.f32 v5, v16  }
0xb5: {  	v7 =	vsel vm6, v7, v51  }
0xb6: {  	v52 =	vsub.f32 v6, v16;
	(erf) = vpow2.f32 v4;
	v3 =	vmul.f32 $1.442695020e+00, v3  }
0xb7: {  	vm9 =	vgt.f32 v5, v7;
	v54 =	vsub.f32 v8, v16  }
0xb8: {  	v5 =	vsel vm9, v5, v7;
	v7 =	vmul.f32 $1.442695020e+00, v52;
	(erf) = vpow2.f32 v3  }
0xb9: {  	v2 =	vmul.f32 $0.0e+00, v2;
	v3 =	vsub.f32 v10, v16  }
0xba: {  	v53 =	vsel vm4, v9, v5;
	v5 =	vmul.f32 $1.442695020e+00, v54;
	(erf) = vpow2.f32 v7  }
0xbb: {  	v56 =	vsub.f32 v12, v16;
	vm10 =	vgt.f32 v6, v53;
	v3 =	vmul.f32 $1.442695020e+00, v3;
	v55 =	vpop (erf)  }
0xbc: {  	v4 =	vsel vm10, v6, v53;
	(erf) = vpow2.f32 v5;
	v2 =	vadd.f32 v55, v2  }
0xbd: {  	v4 =	vsel vm2, v11, v4;
	v57 =	vpop (erf);
	(erf) = vpow2.f32 v3;
	v3 =	vmul.f32 $1.442695020e+00, v56  }
0xbe: {  	vm11 =	vgt.f32 v8, v4;
	v2 =	vadd.f32 v2, v57  }
0xbf: {  	v4 =	vsel vm11, v8, v4;
	v58 =	vpop (erf)  }
0xc0: {  	v4 =	vsel vm3, v13, v4;
	(erf) = vpow2.f32 v3;
	v2 =	vadd.f32 v2, v58  }
0xc1: {  	vm12 =	vgt.f32 v10, v4;
	v3 =	vpop (erf)  }
0xc2: {  	v4 =	vsel vm12, v10, v4;
	v2 =	vadd.f32 v2, v3  }
0xc3: {  	v59 =	vpop (erf);
	v3 =	vsel vm1, v14, v4  }
0xc4: {  	vm13 =	vgt.f32 v12, v3;
	v2 =	vadd.f32 v2, v59  }
0xc5: {  	v3 =	vsel vm13, v12, v3;
	v60 =	vpop (erf)  }
0xc6: {  	v3 =	vsel vm0, v15, v3;
	v2 =	vadd.f32 v2, v60  }
0xc7: {  	v61 =	vpop (erf);
	v3 =	vsub.f32 v3, v16  }
0xc8: {  	v2 =	vadd.f32 v2, v61  }
0xc9: {  	v62 =	vpop (erf);
	v3 =	vmul.f32 $1.442695020e+00, v3  }
0xca: {  	v2 =	vadd.f32 v2, v62  }
0xcb: {  	(erf) = vpow2.f32 v3  }
0xcc: {  	(erf) = vrcp.f32 v2;
	_ =	sdelay $0x7  }
0xcd: {  	v2 =	vpop (erf)  }
0xce: {  	v3 =	vpop (erf)  }
0xcf: {  	v2 =	vmul.f32 v3, v2;
	_ =	sdelay $0x1  }
0xd0: {  	v2 =	vsub.f32 v2, v3;
	_ =	sdelay $0x1  }
0xd1: {  	v2 =	vmul.f32 $1.442695020e+00, v2;
	_ =	sdelay $0x1  }
0xd2: {  	(erf) = vpow2.f32 v2;
	_ =	sdelay $0x1  }
0xd3: {  	vm7 =	vmor vm5, vm7  }
0xd4: {  	v2 =	vsel vm7, $0x0, v0  }
0xd5: {  	v3 =	vsel vm5, $0x3F800000, v1;
	v2 =	vsel vm8, $0x40000000, v2  }
0xd6: {  	v2 =	vsel vm6, v3, v2  }
0xd7: {  	v3 =	vsel vm6, $0x40000000, v3;
	v2 =	vsel vm9, $0x40400000, v2  }
0xd8: {  	v2 =	vsel vm4, v3, v2  }
0xd9: {  	v3 =	vsel vm4, $0x40400000, v3;
	v2 =	vsel vm10, $0x40800000, v2  }
0xda: {  	v2 =	vsel vm2, v3, v2;
	v63 =	vpop (erf)  }
0xdb: {  	v3 =	vsel vm2, $0x40800000, v3;
	v2 =	vsel vm11, $0x40A00000, v2;
	v4 =	vadd.f32 $1.000000000e+00, v63  }
0xdc: {  	v2 =	vsel vm3, v3, v2  }
0xdd: {  	v3 =	vsel vm3, $0x40A00000, v3;
	v2 =	vsel vm12, $0x40C00000, v2;
	(erf) = vrcp.f32 v4  }
0xde: {  	v2 =	vsel vm1, v3, v2  }
0xdf: {  	v3 =	vsel vm1, $0x40C00000, v3;
	v2 =	vsel vm13, $0x40E00000, v2  }
0xe0: {  	v2 =	vsel vm0, v3, v2  }
0xe1: {  	v2 =	vtrunc.f32 v2  }
0xe2: {  	v2 =	vcvt.f32.s32 v2  }
0xe3: {  	s12 =	sshll.u32 s12, $0x5;
	v3 =	vsel vm0, $0x40E00000, v3  }
0xe4: {  	s12 =	sand.u32 $0xFFFFFF00, s12;
	v3 =	vtrunc.f32 v3  }
0xe5: {  	s31 =	sor.u32 s11, s12;
	v3 =	vcvt.f32.s32 v3  }
0xe6: {  	[tilespmem:s31+$0x1480] =	vst v2;
	v2 =	vpop (erf)  }
0xe7: {  	[tilespmem:s31+$0x1400] =	vst v3;
	v3 =	vsub.f32 $1.000000000e+00, v2  }
0xe8: {  	[tilespmem:s31+$0x1000] =	vst v2  }
0xe9: {  	[tilespmem:s31+$0x1080] =	vst v3  }
0xea: {  	[hbm4b:s4+s2] =	stream.linear.scatter [tilespmem:s8], [sflag:$0x1], $0x400, $0x38;
	[tilespmem:$0x1800] =	vst v63  }
0xeb: {  	s10 =	sadd.s32 $0x1, s10;
	_ =	swait.ge [sflag:s7], $0x400  }
0xec: {  	p0 =	sne.s32 s10, s6;
	[sflag:s7] =	ssyncset.done $0x0  }
.Ltmp1:
0xed: {  	[sflag:s7] =	ssyncadd.s32 $0xFFFFFC00;
	(pc) =	sbr.rel @p0 .LBB2_1-.Ltmp1, $4  }
0xee: {  	[hbm4b:s5+s2] =	stream.linear.scatter [tilespmem:s9], [sflag:$0x1], $0x400, $0x38;
	[tilespmem:$0x1800] =	vst v63  }
0xef: {  	_ =	swait.ge [sflag:s7], $0x400  }
0xf0: {  	[sflag:s7] =	ssyncset.done $0x0  }
0xf1: {  	[sflag:s7] =	ssyncadd.s32 $0xFFFFFC00  }
0xf2: {  	_ =	sfence.sel $0x180000  }
0xf3: {  	[bflag:$0x0] =	sbarrier.arrive $0xFFFF  }
0xf4: {  	p0 =	sne.s32 s1, $0x0;
	_ =	strace $0x9000004A  }
0xf5: {  	s0 =	sadd.s32 @!p0 $0x100000, s0;
	[bflag:$0x2] =	sbarrier.arrive $0xFFFF  }
0xf6: {  	[sflag:s0] =	ssyncadd.tile.s32 @!p0 $0x1;
	_ =	shalt  }
.Lfunc_end2:
_tile_overlayer_lowered:
.L_overlay_start_2:
0xf7: {  	(tag) =	ssettag $0x2  }
0xf8: {  	s0 =	rddreg [dreg:$0x0];
	s2 =	stileid.u32  }
0xf9: {  	s1 =	rddreg [dreg:$0x1];
	p0 =	sne.s32 s2, $0x0  }
0xfa: {  	s3 =	rddreg [dreg:$0x2];
	[bflag:$0x3] =	sbarrier.arrive $0xFFFF;
	s2 =	simm.s32 @!p0 $0x1C01  }
0xfb: {  	[timem:s3], [sflag:s2] =	dma.local @!p0 [hbm:s0], s1  }
0xfc: {  	s0 =	simm.s32 @!p0 $0x1  }
0xfd: {  	_ =	swait.ge @!p0 [sflag:s0], s1  }
0xfe: {  	s1 =	ssub.s32 @!p0 $0x0, s1;
	[sflag:s0] =	ssyncset.done @!p0 $0x0  }
0xff: {  	[sflag:s0] =	ssyncadd.s32 @!p0 s1  }
0x100: {  	[bflag:$0x3] =	sbarrier.arrive $0xFFFF  }
0x101: {  	_ =	shalt  }

// kernel: kernel.9.cloned.1.call-start
scs
__scs_entry_jumppad:
0x0: {  	(pc) =	sbr.rel $0x88, $3  }
0x1: {  	(tag) =	ssettag $0x0;
	lr =	simm.s32 $0x1  }
0x2: {  	[smem:$0x3F9F] =	sst lr;
	_ =	strace $0xD0000000  }
0x3: {  	_ = 	snop  }
0x4: {  	_ = 	snop  }
0x5: {  	_ = 	snop  }
0x6: {  	_ = 	snop  }
0x7: {  	_ = 	snop  }
__scs_overlays_trampoline_lowered:
0x8: {  	[smem:$0x3FAE] =	sst s0  }
0x9: {  	[smem:$0x3FAF] =	sst s1  }
0xa: {  	[smem:$0x3FB0] =	sst s2  }
0xb: {  	[smem:$0x3FB1] =	sst s3  }
0xc: {  	[smem:$0x3FB2] =	sst s4  }
0xd: {  	[smem:$0x3FB3] =	sst s5  }
0xe: {  	[smem:$0x3FB4] =	sst s6  }
0xf: {  	[smem:$0x3FB5] =	sst s7  }
0x10: {  	[smem:$0x3FB6] =	sst s8  }
0x11: {  	[smem:$0x3FB7] =	sst s9;
	s0 =	simm.s32 @!p0 $0x0  }
0x12: {  	s1 =	sld [smem:$0x3F9D];
	s0 =	simm.s32 @p0 $0x1  }
0x13: {  	[smem:$0x3FB8] =	sst s0;
	s0 =	simm.s32 @!p1 $0x0  }
0x14: {  	s2 =	sld [smem:$0x3F9C];
	s0 =	simm.s32 @p1 $0x1  }
0x15: {  	[smem:$0x3FB9] =	sst s0;
	s0 =	simm.s32 @!p2 $0x0  }
0x16: {  	s3 =	sld [smem:$0x3FDB];
	s0 =	simm.s32 @p2 $0x1  }
0x17: {  	s4 =	simm.s32 $0x1BF5;
	[smem:$0x3FBB] =	sst s0  }
0x18: {  	s0 =	sld [smem:$0x3F9E];
	_ =	swait.ge [sflag:s4], $0x0  }
0x19: {  	s7 =	sld [smem:$0x3F9F]  }
0x1a: {  	s8 =	sadd.s32 $0xFFFFE003, lr  }
0x1b: {  	s9 =	sadd.s32 $0xFFFFFEF7, lr;
	s5 =	simm.s32 $0xFFFFFFFF;
	p2 =	slt.u32 s8, $0xFFFFF086  }
0x1c: {  	p1 =	slt.u32 s9, $0xF7A;
	s5 =	simm.s32 @!p2 $0x0  }
0x1d: {  	s5 =	simm.s32 @p1 $0x1;
	p0 =	seq.s32 s7, s2  }
0x1e: {  	s7 =	smul.u32 @!p0 $0xF7A, s2;
	p2 =	seq.s32 @!p0 s5, $0x0  }
0x1f: {  	s9 =	smul.u32 $0xF7A, s1;
	s8 =	simm.s32 @!p0 $0x1BF5;
	p2 =	por !p2, p0  }
0x20: {  	[sflag:s8] =	ssyncset.s32 @!p0 $0xFFFFF086;
	s6 =	sadd.s32 @!p0 s3, s7;
	s7 =	simm.s32 @!p0 $0x108  }
0x21: {  	s3 =	sadd.s32 s3, s9;
	s6 =	sadd.s32 @!p0 $0x88, s6;
	s7 =	simm.s32 @p2 $0x1082  }
0x22: {  	[simem:s7], [sflag:s8] =	dma.local @!p0 [hbm:s6], $0xF7A  }
0x23: {  	s9 =	sor.u32 $0xD0000000, s2;
	s6 =	simm.s32 $0x108;
	_ =	swait.ge @!p0 [sflag:s8], $0x0  }
0x24: {  	s3 =	sadd.s32 $0x88, s3;
	s6 =	simm.s32 @!p1 $0x1082;
	[sflag:s4] =	ssyncset.s32 $0xFFFFF086  }
0x25: {  	[simem:s6], [sflag:s4] =	dma.local [hbm:s3], $0xF7A  }
0x26: {  	[smem:$0x3F9F] =	sst s1;
	(tag) =	ssettag s2;
	_ =	strace s9  }
0x27: {  	s1 =	sld [smem:$0x3FAF]  }
0x28: {  	s2 =	sld [smem:$0x3FB0]  }
0x29: {  	s4 =	sld [smem:$0x3FB2]  }
0x2a: {  	p0 =	seq.s32 s5, $0x0;
	s5 =	sld [smem:$0x3FB3]  }
0x2b: {  	s6 =	sld [smem:$0x3FB4]  }
0x2c: {  	s7 =	sld [smem:$0x3FB5]  }
0x2d: {  	s3 =	simm.s32 $0x108;
	s8 =	sld [smem:$0x3FB6]  }
0x2e: {  	s3 =	simm.s32 @!p0 $0x1082;
	s9 =	sld [smem:$0x3FB7]  }
0x2f: {  	lr =	sadd.s32 s0, s3;
	s0 =	sld [smem:$0x3FAE]  }
0x30: {  	s3 =	sld [smem:$0x3FB1]  }
0x31: {  	[smem:$0x3FBA] =	sst s10  }
0x32: {  	s10 =	sld [smem:$0x3FB8];
	_ =	sdelay $0x3  }
0x33: {  	p0 =	seq.s32 s10, $0x1;
	s10 =	sld [smem:$0x3FBA];
	_ =	sdelay $0x3  }
0x34: {  	[smem:$0x3FBA] =	sst s10  }
0x35: {  	s10 =	sld [smem:$0x3FB9];
	_ =	sdelay $0x3  }
0x36: {  	p1 =	seq.s32 s10, $0x1;
	s10 =	sld [smem:$0x3FBA];
	_ =	sdelay $0x3  }
0x37: {  	[smem:$0x3FBA] =	sst s10  }
0x38: {  	s10 =	sld [smem:$0x3FBB]  }
0x39: {  	_ = 	snop;
	(pc) =	sbr.ind lr, $3  }
0x3a: {  	_ = 	snop  }
0x3b: {  	_ = 	snop  }
0x3c: {  	p2 =	seq.s32 s10, $0x1;
	s10 =	sld [smem:$0x3FBA]  }
0x3d: {  	_ =	shalt  }
0x3e: {  	_ =	shalt  }
0x3f: {  	_ =	shalt  }
0x40: {  	_ =	shalt  }
0x41: {  	_ =	shalt  }
0x42: {  	_ =	shalt  }
0x43: {  	_ =	shalt  }
0x44: {  	_ =	shalt  }
0x45: {  	_ =	shalt  }
0x46: {  	_ =	shalt  }
0x47: {  	_ =	shalt  }
0x48: {  	_ =	shalt  }
0x49: {  	_ =	shalt  }
0x4a: {  	_ =	shalt  }
0x4b: {  	_ =	shalt  }
0x4c: {  	_ =	shalt  }
0x4d: {  	_ =	shalt  }
0x4e: {  	_ =	shalt  }
0x4f: {  	_ =	shalt  }
0x50: {  	_ =	shalt  }
0x51: {  	_ =	shalt  }
0x52: {  	_ =	shalt  }
0x53: {  	_ =	shalt  }
0x54: {  	_ =	shalt  }
0x55: {  	_ =	shalt  }
0x56: {  	_ =	shalt  }
0x57: {  	_ =	shalt  }
0x58: {  	_ =	shalt  }
0x59: {  	_ =	shalt  }
0x5a: {  	_ =	shalt  }
0x5b: {  	_ =	shalt  }
0x5c: {  	_ =	shalt  }
0x5d: {  	_ =	shalt  }
0x5e: {  	_ =	shalt  }
0x5f: {  	_ =	shalt  }
0x60: {  	_ =	shalt  }
0x61: {  	_ =	shalt  }
0x62: {  	_ =	shalt  }
0x63: {  	_ =	shalt  }
0x64: {  	_ =	shalt  }
0x65: {  	_ =	shalt  }
0x66: {  	_ =	shalt  }
0x67: {  	_ =	shalt  }
0x68: {  	_ =	shalt  }
0x69: {  	_ =	shalt  }
0x6a: {  	_ =	shalt  }
0x6b: {  	_ =	shalt  }
0x6c: {  	_ =	shalt  }
0x6d: {  	_ =	shalt  }
0x6e: {  	_ =	shalt  }
0x6f: {  	_ =	shalt  }
0x70: {  	_ =	shalt  }
0x71: {  	_ =	shalt  }
0x72: {  	_ =	shalt  }
0x73: {  	_ =	shalt  }
0x74: {  	_ =	shalt  }
0x75: {  	_ =	shalt  }
0x76: {  	_ =	shalt  }
0x77: {  	_ =	shalt  }
0x78: {  	_ =	shalt  }
0x79: {  	_ =	shalt  }
0x7a: {  	_ =	shalt  }
0x7b: {  	_ =	shalt  }
0x7c: {  	_ =	shalt  }
0x7d: {  	_ =	shalt  }
0x7e: {  	_ =	shalt  }
0x7f: {  	_ =	shalt  }
0x80: {  	_ =	shalt  }
0x81: {  	_ =	shalt  }
0x82: {  	_ =	shalt  }
0x83: {  	_ =	shalt  }
0x84: {  	_ =	shalt  }
0x85: {  	_ =	shalt  }
0x86: {  	_ =	shalt  }
0x87: {  	_ =	shalt  }
.Lfunc_end0:
.L_simem_size_0:
called_computation.1_lowered:
.L_overlay_start_0:
0x88: {  	s2 =	sld [smem:$0x3FD9]  }
0x89: {  	s3 =	sld [smem:$0x3FFE];
	_ =	sdelay $0x1  }
0x8a: {  	s1 =	srdreg.scid  }
0x8b: {  	s0 =	sand.u32 $0x1, s1  }
0x8c: {  	s16 =	sshll.u32 s0, $0xA;
	s2 =	sadd.s32 s3, s2  }
0x8d: {  	s2 =	sadd.s32 s2, s16  }
0x8e: {  	[smem:$0x3FC6] =	sst s2  }
0x8f: {  	_ = 	snop  }
0x90: {  	(tm) =	ssettm $0x1  }
0x91: {  	s17 =	sld [smem:$0x3FFB];
	_ =	sdelay $0x3  }
0x92: {  	_ =	strace s17  }
0x93: {  	s2 =	sld [smem:$0x3FFC];
	_ =	sdelay $0x3  }
0x94: {  	_ =	strace s2  }
0x95: {  	s2 =	sld [smem:$0x3FFD];
	_ =	sdelay $0x3  }
0x96: {  	_ =	strace s2  }
0x97: {  	_ =	strace $0x8FFFFFFF  }
0x98: {  	s18 =	sld [smem:$0x3FDB];
	_ =	sdelay $0x1  }
0x99: {  	s19 =	simm.s32 $_scs_section_size  }
0x9a: {  	s4 =	simm.s32 $_size__tile_overlayer_lowered;
	s5 =	simm.s32 $_tile_overlayer_lowered  }
0x9b: {  	s22 =	simm.s32 $0x1BFF;
	s21 =	sshll.u32 s5, $0x1;
	s2 =	sadd.s32 s19, s18  }
0x9c: {  	s6 =	simm.s32 $0x0;
	s20 =	sshll.u32 s4, $0x1;
	s4 =	sadd.s32 s21, s2  }
0x9d: {  	[timem:s6], [sflag:s22] =	dma.local [hbm:s4], s20  }
0x9e: {  	_ =	swait.ge [sflag:s22], s20  }
0x9f: {  	s3 =	ssub.s32 $0x0, s20;
	[sflag:s22] =	ssyncset.done $0x0  }
0xa0: {  	[sflag:s22] =	ssyncadd.s32 s3;
	_ =	sdelay $0x1  }
0xa1: {  	s23 =	simm.s32 $0x1B8B  }
0xa2: {  	_ =	swait.ge [sflag:s23], $0x1  }
0xa3: {  	[sflag:s23] =	ssyncset.done $0x0  }
0xa4: {  	s25 =	simm.s32 $0x1B8E;
	s24 =	sld [smem:$0x3FFE];
	[sflag:s23] =	ssyncadd.s32 $0xFFFFFFFF  }
0xa5: {  	s26 =	simm.s32 $execute0_lowered;
	[smem:$0x3FD2] =	sst s25  }
0xa6: {  	s4 =	sshll.u32 s26, $0x1;
	_ =	strace $0x80000046;
	[dreg:$0x1] =	wrdreg $0xFFFFFFFF  }
0xa7: {  	s28 =	simm.s32 $_size_execute0_lowered;
	s2 =	sadd.s32 s2, s4;
	[dreg:$0x0] =	wrdreg $0x0  }
0xa8: {  	s4 =	sshll.u32 s28, $0x1;
	[dreg:$0x2] =	wrdreg s2  }
0xa9: {  	[dreg:$0x3] =	wrdreg s4  }
0xaa: {  	[dreg:$0x4] =	wrdreg $0xC0  }
0xab: {  	_ =	task [dreg:s6], $0x5FFFF  }
0xac: {  	[dreg:$0x1] =	wrdreg $0xFFFFFFFF  }
0xad: {  	[dreg:$0x0] =	wrdreg $0x60  }
0xae: {  	[dreg:$0x2] =	wrdreg s24  }
0xaf: {  	[dreg:$0x3] =	wrdreg $0xA  }
0xb0: {  	_ =	task.clear_ibuf [dreg:s6], $0x4FFFF;
	_ =	strace $0x90000046  }
0xb1: {  	s29 =	simm.s32 $0xA;
	_ =	strace $0x80000048  }
0xb2: {  	_ =	swait.ge [sflag:s29], $0x1  }
0xb3: {  	[sflag:s29] =	ssyncadd.s32 $0xFFFFFFFF  }
0xb4: {  	_ =	strace $0x90000048  }
0xb5: {  	_ =	sfence  }
0xb6: {  	s30 =	sld [smem:$0x0];
	_ =	sdelay $0x2  }
0xb7: {  	s31 =	sshll.u32 s1, $0xD;
	s1 =	sshrl.u32 s1, $0x2  }
0xb8: {  	s3 =	sand.u32 $0x4000, s31;
	s1 =	sadd.s32 s1, s30  }
0xb9: {  	s0 =	sor.u32 s3, s0;
	s1 =	sshll.u32 s1, $0x11  }
0xba: {  	s0 =	sor.u32 s1, s0  }
0xbb: {  	s0 =	sadd.s32 $0x8F2B, s0  }
0xbc: {  	[sflag:s0] =	ssyncadd.remote.s32 $0x1  }
0xbd: {  	_ =	sfence.sel $0xFFFF  }
0xbe: {  	[dreg:$0x0] =	wrdreg $0xFFFFFFFF;
	(pc) =	sbr.abs _section_cstart, $3  }
0xbf: {  	[dreg:$0x1] =	wrdreg $0xFFFFFFFF  }
0xc0: {  	_ =	task.clear_ibuf [dreg:s6], $0x2FFFF;
	_ =	strace $0x9FFFFFFF  }
0xc1: {  	(tm) =	ssettm $0x7FFFFFFF  }
tec
execute0_lowered:
.L_overlay_start_1:
0x0: {  	(tag) =	ssettag $0x1  }
0x1: {  	s3 =	rddreg [dreg:$0x0];
	s2 =	srdreg.scid  }
0x2: {  	s0 =	rddreg [dreg:$0x1];
	s1 =	stileid.u32  }
0x3: {  	s8 =	simm.s32 $0x1000;
	s9 =	simm.s32 $0x1400;
	s4 =	sand.u32 $0x1, s2  }
0x4: {  	s2 =	simm.s32 $0x0;
	s5 =	sshll.u32 s1, $0xA;
	s6 =	sshll.u32 s4, $0x9  }
0x5: {  	s10 =	simm.s32 $0x0;
	[smem:$0x7FF] =	sst s2;
	s5 =	sor.u32 s6, s5  }
0x6: {  	s4 =	ssub.s32 $0x2, s4;
	_ =	strace $0x80000047;
	s6 =	sshrl.u32 s5, $0x2  }
0x7: {  	s31 =	sshrl.u32 s4, $0x1;
	s5 =	sadd.s32 s5, s3;
	s6 =	sadd.s32 s6, s3  }
0x8: {  	s7 =	ssub.s32 s4, s31;
	s3 =	sadd.s32 $0x1400, s5;
	s4 =	sadd.s32 $0x6400, s6  }
0x9: {  	v0 =	vimm.f32 $1.000000000e+00;
	v1 =	vimm.f32 $0.0e+00;
	s5 =	sadd.s32 $0x5400, s6;
	s6 =	smax.u32 s7, $0x1;
	s7 =	simm.s32 $0x1  }
.LBB2_1:
0xa: {  	[tilespmem:s2], [sflag:$0x1] =	stream.linear.gather [hbm4b:s3+s2], $0x1000, $0x38;
	[tilespmem:$0x1800] =	vst v63  }
0xb: {  	s12 =	simm.s32 $0x0;
	_ =	swait.ge [sflag:s7], $0x1000  }
0xc: {  	s11 =	sand.u32 $0x70, s2;
	s12 =	sand.u32 $0x3FFFFC00, s12;
	[sflag:s7] =	ssyncset.done $0x0  }
0xd: {  	s12 =	sor.u32 s11, s12;
	[sflag:s7] =	ssyncadd.s32 $0xFFFFF000  }
0xe: {  	v2 =	vld [tilespmem:s12+$0x0]  }
0xf: {  	v3 =	vld [tilespmem:s12+$0x80];
	_ =	sdelay $0x1  }
0x10: {  	v4 =	vld [tilespmem:s12+$0x100];
	_ =	sdelay $0x1  }
0x11: {  	v5 =	vld [tilespmem:s12+$0x180]  }
0x12: {  	vm4 =	vgt.f32 v3, v2  }
0x13: {  	v6 =	vld [tilespmem:s12+$0x200];
	v7 =	vsel vm4, v3, v2  }
0x14: {  	vm5 =	vgt.f32 v4, v7  }
0x15: {  	v8 =	vld [tilespmem:s12+$0x280];
	v9 =	vsel vm5, v4, v7  }
0x16: {  	vm6 =	vgt.f32 v5, v9  }
0x17: {  	v10 =	vld [tilespmem:s12+$0x300];
	v11 =	vsel vm6, v5, v9  }
0x18: {  	vm2 =	vgt.f32 v6, v11  }
0x19: {  	v12 =	vld [tilespmem:s12+$0x380];
	v13 =	vsel vm2, v6, v11  }
0x1a: {  	vm3 =	vgt.f32 v8, v13  }
0x1b: {  	v14 =	vsel vm3, v8, v13  }
0x1c: {  	vm1 =	vgt.f32 v10, v14  }
0x1d: {  	vm7 =	vlt.f32 v3, $-Inf;
	vm8 =	vgt.f32 v3, $-Inf;
	v15 =	vsel vm1, v10, v14  }
0x1e: {  	vm7 =	vmor vm8, vm7;
	vm0 =	vgt.f32 v12, v15  }
0x1f: {  	vm7 =	vmneg vm7;
	v16 =	vsel vm0, v12, v15  }
0x20: {  	v18 =	vsel vm7, $0xFF800000, v3;
	v17 =	vsub.f32 v2, v16  }
0x21: {  	v18 =	vsel vm4, v2, v18  }
0x22: {  	vm8 =	vgt.f32 v4, v18;
	v3 =	vsub.f32 v3, v16;
	v17 =	vmul.f32 $1.442695020e+00, v17  }
0x23: {  	v51 =	vsel vm8, v4, v18  }
0x24: {  	v4 =	vsub.f32 v4, v16;
	v3 =	vmul.f32 $1.442695020e+00, v3;
	(erf) = vpow2.f32 v17;
	_ =	sdelay $0x1  }
0x25: {  	v4 =	vmul.f32 $1.442695020e+00, v4;
	(erf) = vpow2.f32 v3;
	v3 =	vsub.f32 v5, v16  }
0x26: {  	v7 =	vsel vm5, v7, v51  }
0x27: {  	v52 =	vsub.f32 v6, v16;
	(erf) = vpow2.f32 v4;
	v3 =	vmul.f32 $1.442695020e+00, v3  }
0x28: {  	vm9 =	vgt.f32 v5, v7;
	v54 =	vsub.f32 v8, v16  }
0x29: {  	v5 =	vsel vm9, v5, v7;
	v7 =	vmul.f32 $1.442695020e+00, v52;
	(erf) = vpow2.f32 v3  }
0x2a: {  	v2 =	vmul.f32 $0.0e+00, v2;
	v3 =	vsub.f32 v10, v16  }
0x2b: {  	v53 =	vsel vm6, v9, v5;
	v5 =	vmul.f32 $1.442695020e+00, v54;
	(erf) = vpow2.f32 v7  }
0x2c: {  	v56 =	vsub.f32 v12, v16;
	vm10 =	vgt.f32 v6, v53;
	v3 =	vmul.f32 $1.442695020e+00, v3;
	v55 =	vpop (erf)  }
0x2d: {  	v4 =	vsel vm10, v6, v53;
	(erf) = vpow2.f32 v5;
	v2 =	vadd.f32 v55, v2  }
0x2e: {  	v4 =	vsel vm2, v11, v4;
	v57 =	vpop (erf);
	(erf) = vpow2.f32 v3;
	v3 =	vmul.f32 $1.442695020e+00, v56  }
0x2f: {  	vm11 =	vgt.f32 v8, v4;
	v2 =	vadd.f32 v2, v57  }
0x30: {  	v4 =	vsel vm11, v8, v4;
	v58 =	vpop (erf)  }
0x31: {  	v4 =	vsel vm3, v13, v4;
	(erf) = vpow2.f32 v3;
	v2 =	vadd.f32 v2, v58  }
0x32: {  	vm12 =	vgt.f32 v10, v4;
	v3 =	vpop (erf)  }
0x33: {  	v4 =	vsel vm12, v10, v4;
	v2 =	vadd.f32 v2, v3  }
0x34: {  	v59 =	vpop (erf);
	v3 =	vsel vm1, v14, v4  }
0x35: {  	vm13 =	vgt.f32 v12, v3;
	v2 =	vadd.f32 v2, v59  }
0x36: {  	v3 =	vsel vm13, v12, v3;
	v60 =	vpop (erf)  }
0x37: {  	v3 =	vsel vm0, v15, v3;
	v2 =	vadd.f32 v2, v60  }
0x38: {  	v61 =	vpop (erf);
	v3 =	vsub.f32 v3, v16  }
0x39: {  	v2 =	vadd.f32 v2, v61  }
0x3a: {  	v62 =	vpop (erf);
	v3 =	vmul.f32 $1.442695020e+00, v3  }
0x3b: {  	v2 =	vadd.f32 v2, v62  }
0x3c: {  	(erf) = vpow2.f32 v3  }
0x3d: {  	(erf) = vrcp.f32 v2;
	_ =	sdelay $0x7  }
0x3e: {  	v2 =	vpop (erf)  }
0x3f: {  	v3 =	vpop (erf)  }
0x40: {  	v2 =	vmul.f32 v3, v2;
	_ =	sdelay $0x1  }
0x41: {  	v2 =	vsub.f32 v2, v3;
	_ =	sdelay $0x1  }
0x42: {  	v2 =	vmul.f32 $1.442695020e+00, v2;
	_ =	sdelay $0x1  }
0x43: {  	(erf) = vpow2.f32 v2;
	_ =	sdelay $0x1  }
0x44: {  	vm7 =	vmor vm4, vm7  }
0x45: {  	v2 =	vsel vm7, $0x0, v0  }
0x46: {  	v3 =	vsel vm4, $0x3F800000, v1;
	v2 =	vsel vm8, $0x40000000, v2  }
0x47: {  	v2 =	vsel vm5, v3, v2  }
0x48: {  	v3 =	vsel vm5, $0x40000000, v3;
	v2 =	vsel vm9, $0x40400000, v2  }
0x49: {  	v2 =	vsel vm6, v3, v2  }
0x4a: {  	v3 =	vsel vm6, $0x40400000, v3;
	v2 =	vsel vm10, $0x40800000, v2  }
0x4b: {  	v2 =	vsel vm2, v3, v2;
	v63 =	vpop (erf)  }
0x4c: {  	v3 =	vsel vm2, $0x40800000, v3;
	v2 =	vsel vm11, $0x40A00000, v2;
	v4 =	vadd.f32 $1.000000000e+00, v63  }
0x4d: {  	v2 =	vsel vm3, v3, v2  }
0x4e: {  	v3 =	vsel vm3, $0x40A00000, v3;
	v2 =	vsel vm12, $0x40C00000, v2;
	(erf) = vrcp.f32 v4  }
0x4f: {  	v2 =	vsel vm1, v3, v2  }
0x50: {  	v3 =	vsel vm1, $0x40C00000, v3;
	v2 =	vsel vm13, $0x40E00000, v2  }
0x51: {  	v2 =	vsel vm0, v3, v2  }
0x52: {  	v2 =	vtrunc.f32 v2  }
0x53: {  	s30 =	simm.s32 $0x0;
	v3 =	vsel vm0, $0x40E00000, v3;
	v2 =	vcvt.f32.s32 v2  }
0x54: {  	s12 =	sand.u32 $0xFFFFFF00, s30;
	v3 =	vtrunc.f32 v3  }
0x55: {  	s17 =	sor.u32 s11, s12;
	v3 =	vcvt.f32.s32 v3  }
0x56: {  	[tilespmem:s17+$0x1480] =	vst v2  }
0x57: {  	s31 =	simm.s32 $0x10;
	s18 =	simm.s32 $0x2;
	s16 =	simm.s32 $0x80;
	[tilespmem:s17+$0x1400] =	vst v3;
	v2 =	vpop (erf)  }
0x58: {  	s13 =	simm.s32 $0x20;
	s12 =	simm.s32 $0x1;
	s11 =	sand.u32 $0x70, s31;
	[tilespmem:s17+$0x1000] =	vst v2;
	v2 =	vsub.f32 $1.000000000e+00, v2  }
.LBB2_2:
0x59: {  	s15 =	sand.u32 $0x70, s13  }
0x5a: {  	s19 =	sand.u32 $0x3FFFFC00, s16;
	s16 =	smov.u32 s18;
	s14 =	sadd.s32 $0x1, s18  }
0x5b: {  	p0 =	sne.s32 s18, $0x1F;
	s18 =	sor.u32 s11, s19;
	[tilespmem:s17+$0x1080] =	vst v2  }
0x5c: {  	v2 =	vld [tilespmem:s18+$0x0]  }
0x5d: {  	v3 =	vld [tilespmem:s18+$0x80]  }
0x5e: {  	v4 =	vld [tilespmem:s18+$0x100];
	_ =	sdelay $0x1  }
0x5f: {  	v5 =	vld [tilespmem:s18+$0x180];
	_ =	sdelay $0x1  }
0x60: {  	v6 =	vld [tilespmem:s18+$0x200];
	vm0 =	vgt.f32 v3, v2;
	vm1 =	vlt.f32 v3, $-Inf;
	vm2 =	vgt.f32 v3, $-Inf  }
0x61: {  	vm1 =	vmor vm2, vm1;
	v7 =	vsel vm0, v3, v2  }
0x62: {  	v8 =	vld [tilespmem:s18+$0x280];
	vm1 =	vmneg vm1;
	vm2 =	vgt.f32 v4, v7  }
0x63: {  	v9 =	vsel vm1, $0xFF800000, v3;
	vm1 =	vmor vm0, vm1;
	v10 =	vsel vm2, v4, v7  }
0x64: {  	v12 =	vsel vm0, $0x3F800000, v1;
	v11 =	vld [tilespmem:s18+$0x300];
	v9 =	vsel vm0, v2, v9;
	vm0 =	vgt.f32 v5, v10  }
0x65: {  	v13 =	vsel vm1, $0x0, v0;
	vm1 =	vgt.f32 v4, v9;
	v14 =	vsel vm0, v5, v10  }
0x66: {  	v15 =	vld [tilespmem:s18+$0x380];
	v9 =	vsel vm1, v4, v9;
	v13 =	vsel vm1, $0x40000000, v13;
	vm3 =	vgt.f32 v6, v14  }
0x67: {  	v7 =	vsel vm2, v7, v9;
	v9 =	vsel vm2, v12, v13;
	v13 =	vsel vm3, v6, v14  }
0x68: {  	v12 =	vsel vm2, $0x40000000, v12;
	vm2 =	vgt.f32 v5, v7;
	vm1 =	vgt.f32 v8, v13  }
0x69: {  	v7 =	vsel vm2, v5, v7;
	v9 =	vsel vm2, $0x40400000, v9;
	v16 =	vsel vm1, v8, v13  }
0x6a: {  	v7 =	vsel vm0, v10, v7;
	v9 =	vsel vm0, v12, v9;
	vm2 =	vgt.f32 v11, v16  }
0x6b: {  	v10 =	vsel vm0, $0x40400000, v12;
	vm0 =	vgt.f32 v6, v7;
	v12 =	vsel vm2, v11, v16  }
0x6c: {  	v7 =	vsel vm0, v6, v7;
	v9 =	vsel vm0, $0x40800000, v9;
	vm0 =	vgt.f32 v15, v12  }
0x6d: {  	v7 =	vsel vm3, v14, v7;
	v9 =	vsel vm3, v10, v9;
	v14 =	vsel vm0, v15, v12  }
0x6e: {  	vm4 =	vgt.f32 v8, v7;
	v17 =	vsub.f32 v2, v14;
	v5 =	vsub.f32 v5, v14  }
0x6f: {  	v3 =	vsub.f32 v3, v14;
	v4 =	vsub.f32 v4, v14;
	v7 =	vsel vm4, v8, v7  }
0x70: {  	v6 =	vsub.f32 v6, v14;
	v9 =	vsel vm4, $0x40A00000, v9;
	v17 =	vmul.f32 $1.442695020e+00, v17  }
0x71: {  	v8 =	vsub.f32 v8, v14;
	v3 =	vmul.f32 $1.442695020e+00, v3;
	v4 =	vmul.f32 $1.442695020e+00, v4  }
0x72: {  	v18 =	vsub.f32 v11, v14;
	v6 =	vmul.f32 $1.442695020e+00, v6;
	(erf) = vpow2.f32 v17  }
0x73: {  	v8 =	vmul.f32 $1.442695020e+00, v8;
	v17 =	vsub.f32 v15, v14;
	(erf) = vpow2.f32 v3  }
0x74: {  	v7 =	vsel vm1, v13, v7;
	v3 =	vsel vm3, $0x40800000, v10;
	v10 =	vmul.f32 $1.442695020e+00, v18  }
0x75: {  	v5 =	vmul.f32 $1.442695020e+00, v5;
	vm3 =	vgt.f32 v11, v7;
	v13 =	vmul.f32 $1.442695020e+00, v17  }
0x76: {  	v9 =	vsel vm1, v3, v9;
	v7 =	vsel vm3, v11, v7;
	(erf) = vpow2.f32 v4  }
0x77: {  	v3 =	vsel vm1, $0x40A00000, v3;
	v4 =	vsel vm2, v16, v7;
	v7 =	vsel vm3, $0x40C00000, v9  }
0x78: {  	v9 =	vsel vm2, $0x40C00000, v3;
	vm1 =	vgt.f32 v15, v4;
	(erf) = vpow2.f32 v5  }
0x79: {  	v2 =	vmul.f32 $0.0e+00, v2;
	v3 =	vsel vm2, v3, v7;
	v4 =	vsel vm1, v15, v4  }
0x7a: {  	v3 =	vsel vm1, $0x40E00000, v3;
	v4 =	vsel vm0, v12, v4;
	(erf) = vpow2.f32 v6  }
0x7b: {  	v5 =	vsel vm0, $0x40E00000, v9;
	v3 =	vsel vm0, v9, v3;
	v4 =	vsub.f32 v4, v14;
	v6 =	vpop (erf)  }
0x7c: {  	s17 =	sshll.u32 s12, $0x5;
	s12 =	smov.u32 s16;
	v3 =	vtrunc.f32 v3;
	v2 =	vadd.f32 v6, v2;
	v6 =	vpop (erf);
	(erf) = vpow2.f32 v8  }
0x7d: {  	s16 =	sand.u32 $0xFFFFFF00, s17;
	v7 =	vcvt.f32.s32 v3;
	v4 =	vmul.f32 $1.442695020e+00, v4  }
0x7e: {  	s17 =	sor.u32 s11, s16;
	s11 =	smov.u32 s15;
	v5 =	vtrunc.f32 v5;
	v2 =	vadd.f32 v2, v6;
	(erf) = vpow2.f32 v10  }
0x7f: {  	v5 =	vcvt.f32.s32 v5;
	[tilespmem:s17+$0x1480] =	vst v7;
	v3 =	vpop (erf)  }
0x80: {  	v2 =	vadd.f32 v2, v3;
	(erf) = vpow2.f32 v13  }
0x81: {  	[tilespmem:s17+$0x1400] =	vst v5;
	v3 =	vpop (erf)  }
0x82: {  	v2 =	vadd.f32 v2, v3  }
0x83: {  	v3 =	vpop (erf)  }
0x84: {  	v2 =	vadd.f32 v2, v3  }
0x85: {  	v3 =	vpop (erf)  }
0x86: {  	v2 =	vadd.f32 v2, v3  }
0x87: {  	v3 =	vpop (erf)  }
0x88: {  	v2 =	vadd.f32 v2, v3  }
0x89: {  	v3 =	vpop (erf)  }
0x8a: {  	v2 =	vadd.f32 v2, v3  }
0x8b: {  	(erf) = vpow2.f32 v4  }
0x8c: {  	(erf) = vrcp.f32 v2;
	_ =	sdelay $0x7  }
0x8d: {  	v2 =	vpop (erf)  }
0x8e: {  	v3 =	vpop (erf)  }
0x8f: {  	v2 =	vmul.f32 v3, v2;
	_ =	sdelay $0x1  }
0x90: {  	v2 =	vsub.f32 v2, v3;
	_ =	sdelay $0x1  }
0x91: {  	v2 =	vmul.f32 $1.442695020e+00, v2;
	_ =	sdelay $0x1  }
0x92: {  	(erf) = vpow2.f32 v2;
	_ =	sdelay $0x8  }
0x93: {  	v2 =	vpop (erf)  }
0x94: {  	v2 =	vadd.f32 $1.000000000e+00, v2;
	_ =	sdelay $0x1  }
0x95: {  	(erf) = vrcp.f32 v2;
	_ =	sdelay $0x5  }
.Ltmp0:
0x96: {  	(pc) =	sbr.rel @p0 .LBB2_2-.Ltmp0, $3  }
0x97: {  	_ =	sdelay $0x1  }
0x98: {  	v2 =	vpop (erf)  }
0x99: {  	s13 =	sadd.s32 $0x10, s13;
	s16 =	sshll.u32 s12, $0x7;
	s18 =	smov.u32 s14;
	[tilespmem:s17+$0x1000] =	vst v2;
	v2 =	vsub.f32 $1.000000000e+00, v2  }
0x9a: {  	s13 =	sand.u32 $0x3FFFFC00, s16  }
0x9b: {  	s13 =	sor.u32 s11, s13;
	[tilespmem:s17+$0x1080] =	vst v2  }
0x9c: {  	v2 =	vld [tilespmem:s13+$0x0]  }
0x9d: {  	v3 =	vld [tilespmem:s13+$0x80];
	_ =	sdelay $0x1  }
0x9e: {  	v4 =	vld [tilespmem:s13+$0x100];
	_ =	sdelay $0x1  }
0x9f: {  	v5 =	vld [tilespmem:s13+$0x180]  }
0xa0: {  	vm5 =	vgt.f32 v3, v2  }
0xa1: {  	v6 =	vld [tilespmem:s13+$0x200];
	v7 =	vsel vm5, v3, v2  }
0xa2: {  	vm6 =	vgt.f32 v4, v7  }
0xa3: {  	v8 =	vld [tilespmem:s13+$0x280];
	v9 =	vsel vm6, v4, v7  }
0xa4: {  	vm4 =	vgt.f32 v5, v9  }
0xa5: {  	v10 =	vld [tilespmem:s13+$0x300];
	v11 =	vsel vm4, v5, v9  }
0xa6: {  	vm2 =	vgt.f32 v6, v11  }
0xa7: {  	v12 =	vld [tilespmem:s13+$0x380];
	v13 =	vsel vm2, v6, v11  }
0xa8: {  	vm3 =	vgt.f32 v8, v13  }
0xa9: {  	v14 =	vsel vm3, v8, v13  }
0xaa: {  	vm1 =	vgt.f32 v10, v14  }
0xab: {  	vm7 =	vlt.f32 v3, $-Inf;
	vm8 =	vgt.f32 v3, $-Inf;
	v15 =	vsel vm1, v10, v14  }
0xac: {  	vm7 =	vmor vm8, vm7;
	vm0 =	vgt.f32 v12, v15  }
0xad: {  	vm7 =	vmneg vm7;
	v16 =	vsel vm0, v12, v15  }
0xae: {  	v18 =	vsel vm7, $0xFF800000, v3;
	v17 =	vsub.f32 v2, v16  }
0xaf: {  	v18 =	vsel vm5, v2, v18  }
0xb0: {  	vm8 =	vgt.f32 v4, v18;
	v3 =	vsub.f32 v3, v16;
	v17 =	vmul.f32 $1.442695020e+00, v17  }
0xb1: {  	v51 =	vsel vm8, v4, v18  }
0xb2: {  	v4 =	vsub.f32 v4, v16;
	v3 =	vmul.f32 $1.442695020e+00, v3;
	(erf) = vpow2.f32 v17;
	_ =	sdelay $0x1  }
0xb3: {  	v4 =	vmul.f32 $1.442695020e+00, v4;
	(erf) = vpow2.f32 v3;
	v3 =	vsub.f32 v5, v16  }
0xb4: {  	v7 =	vsel vm6, v7, v51  }
0xb5: {  	v52 =	vsub.f32 v6, v16;
	(erf) = vpow2.f32 v4;
	v3 =	vmul.f32 $1.442695020e+00, v3  }
0xb6: {  	vm9 =	vgt.f32 v5, v7;
	v54 =	vsub.f32 v8, v16  }
0xb7: {  	v5 =	vsel vm9, v5, v7;
	v7 =	vmul.f32 $1.442695020e+00, v52;
	(erf) = vpow2.f32 v3  }
0xb8: {  	v2 =	vmul.f32 $0.0e+00, v2;
	v3 =	vsub.f32 v10, v16  }
0xb9: {  	v53 =	vsel vm4, v9, v5;
	v5 =	vmul.f32 $1.442695020e+00, v54;
	(erf) = vpow2.f32 v7  }
0xba: {  	v56 =	vsub.f32 v12, v16;
	vm10 =	vgt.f32 v6, v53;
	v3 =	vmul.f32 $1.442695020e+00, v3;
	v55 =	vpop (erf)  }
0xbb: {  	v4 =	vsel vm10, v6, v53;
	(erf) = vpow2.f32 v5;
	v2 =	vadd.f32 v55, v2  }
0xbc: {  	v4 =	vsel vm2, v11, v4;
	v57 =	vpop (erf);
	(erf) = vpow2.f32 v3;
	v3 =	vmul.f32 $1.442695020e+00, v56  }
0xbd: {  	vm11 =	vgt.f32 v8, v4;
	v2 =	vadd.f32 v2, v57  }
0xbe: {  	v4 =	vsel vm11, v8, v4;
	v58 =	vpop (erf)  }
0xbf: {  	v4 =	vsel vm3, v13, v4;
	(erf) = vpow2.f32 v3;
	v2 =	vadd.f32 v2, v58  }
0xc0: {  	vm12 =	vgt.f32 v10, v4;
	v3 =	vpop (erf)  }
0xc1: {  	v4 =	vsel vm12, v10, v4;
	v2 =	vadd.f32 v2, v3  }
0xc2: {  	v59 =	vpop (erf);
	v3 =	vsel vm1, v14, v4  }
0xc3: {  	vm13 =	vgt.f32 v12, v3;
	v2 =	vadd.f32 v2, v59  }
0xc4: {  	v3 =	vsel vm13, v12, v3;
	v60 =	vpop (erf)  }
0xc5: {  	v3 =	vsel vm0, v15, v3;
	v2 =	vadd.f32 v2, v60  }
0xc6: {  	v61 =	vpop (erf);
	v3 =	vsub.f32 v3, v16  }
0xc7: {  	v2 =	vadd.f32 v2, v61  }
0xc8: {  	v62 =	vpop (erf);
	v3 =	vmul.f32 $1.442695020e+00, v3  }
0xc9: {  	v2 =	vadd.f32 v2, v62  }
0xca: {  	(erf) = vpow2.f32 v3  }
0xcb: {  	(erf) = vrcp.f32 v2;
	_ =	sdelay $0x7  }
0xcc: {  	v2 =	vpop (erf)  }
0xcd: {  	v3 =	vpop (erf)  }
0xce: {  	v2 =	vmul.f32 v3, v2;
	_ =	sdelay $0x1  }
0xcf: {  	v2 =	vsub.f32 v2, v3;
	_ =	sdelay $0x1  }
0xd0: {  	v2 =	vmul.f32 $1.442695020e+00, v2;
	_ =	sdelay $0x1  }
0xd1: {  	(erf) = vpow2.f32 v2;
	_ =	sdelay $0x1  }
0xd2: {  	vm7 =	vmor vm5, vm7  }
0xd3: {  	v2 =	vsel vm7, $0x0, v0  }
0xd4: {  	v3 =	vsel vm5, $0x3F800000, v1;
	v2 =	vsel vm8, $0x40000000, v2  }
0xd5: {  	v2 =	vsel vm6, v3, v2  }
0xd6: {  	v3 =	vsel vm6, $0x40000000, v3;
	v2 =	vsel vm9, $0x40400000, v2  }
0xd7: {  	v2 =	vsel vm4, v3, v2  }
0xd8: {  	v3 =	vsel vm4, $0x40400000, v3;
	v2 =	vsel vm10, $0x40800000, v2  }
0xd9: {  	v2 =	vsel vm2, v3, v2;
	v63 =	vpop (erf)  }
0xda: {  	v3 =	vsel vm2, $0x40800000, v3;
	v2 =	vsel vm11, $0x40A00000, v2;
	v4 =	vadd.f32 $1.000000000e+00, v63  }
0xdb: {  	v2 =	vsel vm3, v3, v2  }
0xdc: {  	v3 =	vsel vm3, $0x40A00000, v3;
	v2 =	vsel vm12, $0x40C00000, v2;
	(erf) = vrcp.f32 v4  }
0xdd: {  	v2 =	vsel vm1, v3, v2  }
0xde: {  	v3 =	vsel vm1, $0x40C00000, v3;
	v2 =	vsel vm13, $0x40E00000, v2  }
0xdf: {  	v2 =	vsel vm0, v3, v2  }
0xe0: {  	v2 =	vtrunc.f32 v2  }
0xe1: {  	v2 =	vcvt.f32.s32 v2  }
0xe2: {  	s12 =	sshll.u32 s12, $0x5;
	v3 =	vsel vm0, $0x40E00000, v3  }
0xe3: {  	s12 =	sand.u32 $0xFFFFFF00, s12;
	v3 =	vtrunc.f32 v3  }
0xe4: {  	s31 =	sor.u32 s11, s12;
	v3 =	vcvt.f32.s32 v3  }
0xe5: {  	[tilespmem:s31+$0x1480] =	vst v2;
	v2 =	vpop (erf)  }
0xe6: {  	[tilespmem:s31+$0x1400] =	vst v3;
	v3 =	vsub.f32 $1.000000000e+00, v2  }
0xe7: {  	[tilespmem:s31+$0x1000] =	vst v2  }
0xe8: {  	[tilespmem:s31+$0x1080] =	vst v3  }
0xe9: {  	[hbm4b:s4+s2] =	stream.linear.scatter [tilespmem:s8], [sflag:$0x1], $0x400, $0x38;
	[tilespmem:$0x1800] =	vst v63  }
0xea: {  	s10 =	sadd.s32 $0x1, s10;
	_ =	swait.ge [sflag:s7], $0x400  }
0xeb: {  	p0 =	sne.s32 s10, s6;
	[sflag:s7] =	ssyncset.done $0x0  }
.Ltmp1:
0xec: {  	[sflag:s7] =	ssyncadd.s32 $0xFFFFFC00;
	(pc) =	sbr.rel @p0 .LBB2_1-.Ltmp1, $4  }
0xed: {  	[hbm4b:s5+s2] =	stream.linear.scatter [tilespmem:s9], [sflag:$0x1], $0x400, $0x38;
	[tilespmem:$0x1800] =	vst v63  }
0xee: {  	_ =	swait.ge [sflag:s7], $0x400  }
0xef: {  	[sflag:s7] =	ssyncset.done $0x0  }
0xf0: {  	[sflag:s7] =	ssyncadd.s32 $0xFFFFFC00  }
0xf1: {  	_ =	sfence.sel $0x180000  }
0xf2: {  	[bflag:$0x0] =	sbarrier.arrive $0xFFFF  }
0xf3: {  	p0 =	sne.s32 s1, $0x0;
	_ =	strace $0x90000047  }
0xf4: {  	s0 =	sadd.s32 @!p0 $0x100000, s0;
	[bflag:$0x2] =	sbarrier.arrive $0xFFFF  }
0xf5: {  	[sflag:s0] =	ssyncadd.tile.s32 @!p0 $0x1;
	_ =	shalt  }
.Lfunc_end2:
_tile_overlayer_lowered:
.L_overlay_start_2:
0xf6: {  	(tag) =	ssettag $0x2  }
0xf7: {  	s0 =	rddreg [dreg:$0x0];
	s2 =	stileid.u32  }
0xf8: {  	s1 =	rddreg [dreg:$0x1];
	p0 =	sne.s32 s2, $0x0  }
0xf9: {  	s3 =	rddreg [dreg:$0x2];
	[bflag:$0x3] =	sbarrier.arrive $0xFFFF;
	s2 =	simm.s32 @!p0 $0x1C01  }
0xfa: {  	[timem:s3], [sflag:s2] =	dma.local @!p0 [hbm:s0], s1  }
0xfb: {  	s0 =	simm.s32 @!p0 $0x1  }
0xfc: {  	_ =	swait.ge @!p0 [sflag:s0], s1  }
0xfd: {  	s1 =	ssub.s32 @!p0 $0x0, s1;
	[sflag:s0] =	ssyncset.done @!p0 $0x0  }
0xfe: {  	[sflag:s0] =	ssyncadd.s32 @!p0 s1  }
0xff: {  	[bflag:$0x3] =	sbarrier.arrive $0xFFFF  }
0x100: {  	_ =	shalt  }

</sc_bundles>
